<compile_context>
chip_gen: v7x
topology: tpu7x:2x2x1
jax: 0.10.2.dev20260603
libtpu: 0.0.44.dev20260713+nightly
codegen_flags: <defaults>
</compile_context>

<pallas_src>
import functools

import jax
import jax.numpy as jnp
from jax import lax
from jax.experimental import pallas as pl
from jax.experimental.pallas import tpu as pltpu
from jax.experimental.pallas import tpu_sc as plsc

N = 10000
E = 160000
D_IN = 128
H1 = 64
H2 = 16

_E_PAD = 163840
_N_CHUNKS = _E_PAD // 128
_CPT = _N_CHUNKS // 32
_ACC_ROWS = N + 16
_RPT = 624
_TAIL = _ACC_ROWS - 16 * _RPT




_UROWS = 1
_UNITS = _CPT // _UROWS
_NBUF = 4
_GROUPS = _UNITS // _NBUF


def _make_propagate(width):
  mesh = plsc.VectorSubcoreMesh(core_axis_name="c", subcore_axis_name="s")

  @functools.partial(
      pl.kernel,
      mesh=mesh,
      out_type=jax.ShapeDtypeStruct((2, N, width), jnp.float32),
      compiler_params=pltpu.CompilerParams(use_tc_tiling_on_sc=False),
      scratch_types=[
          pltpu.VMEM((_CPT, 128), jnp.int32),
          pltpu.VMEM((_CPT, 128), jnp.int32),
      ] + [pltpu.VMEM((_UROWS * 128, width), jnp.float32)
           for _ in range(_NBUF)]
      + [pltpu.VMEM_SHARED((_ACC_ROWS, width), jnp.float32)]
      + [pltpu.VMEM_SHARED((N, width), jnp.float32)]
      + [pltpu.SemaphoreType.DMA] * (2 * _NBUF),
  )
  def prop(table_hbm, edges_hbm, zeros_hbm, out_hbm,
           src_v, dst_v, *rest):
    bufs = rest[:_NBUF]
    acc_sh = rest[_NBUF]
    tab_sh = rest[_NBUF + 1]
    gsems = rest[_NBUF + 2:2 * _NBUF + 2]
    ssems = rest[2 * _NBUF + 2:]
    c = lax.axis_index("c")
    s = lax.axis_index("s")
    wid = s * 2 + c

    pltpu.sync_copy(edges_hbm.at[0, pl.ds(wid * _CPT, _CPT)], src_v)
    pltpu.sync_copy(edges_hbm.at[1, pl.ds(wid * _CPT, _CPT)], dst_v)

    pltpu.sync_copy(table_hbm.at[pl.ds(s * _RPT, _RPT)],
                    tab_sh.at[pl.ds(s * _RPT, _RPT)])

    @pl.when(s == 15)
    def _():
      pltpu.sync_copy(table_hbm.at[pl.ds(16 * _RPT, N - 16 * _RPT)],
                      tab_sh.at[pl.ds(16 * _RPT, N - 16 * _RPT)])

    pltpu.sync_copy(zeros_hbm.at[pl.ds(0, _RPT)],
                    acc_sh.at[pl.ds(s * _RPT, _RPT)])

    @pl.when(s == 15)
    def _():
      pltpu.sync_copy(zeros_hbm.at[pl.ds(0, _TAIL)],
                      acc_sh.at[pl.ds(16 * _RPT, _TAIL)])

    plsc.subcore_barrier()

    def fire_gather(u, b):
      pltpu.make_async_copy(
          tab_sh.at[src_v.at[u]], bufs[b], gsems[b]).start()

    def wait_gather(b):
      pltpu.make_async_copy(
          tab_sh.at[src_v.at[0]], bufs[b], gsems[b]).wait()

    def fire_scatter(u, b):
      pltpu.make_async_copy(
          bufs[b], acc_sh.at[dst_v.at[u]], ssems[b]).start(add=True)

    def wait_scatter(b):
      pltpu.make_async_copy(
          bufs[b], acc_sh.at[dst_v.at[0]], ssems[b]).wait()

    for b in range(_NBUF):
      fire_gather(b, b)

    def group(k, _):
      u0 = k * _NBUF
      for b in range(_NBUF):
        wait_gather(b)
        fire_scatter(u0 + b, b)
      for b in range(_NBUF):
        wait_scatter(b)

        @pl.when(k + 1 < _GROUPS)
        def _(b=b):
          fire_gather(u0 + _NBUF + b, b)
      return 0

    lax.fori_loop(0, _GROUPS, group, 0)
    plsc.subcore_barrier()

    pltpu.sync_copy(acc_sh.at[pl.ds(s * _RPT, _RPT)],
                    out_hbm.at[c, pl.ds(s * _RPT, _RPT)])

    @pl.when(s == 15)
    def _():
      pltpu.sync_copy(acc_sh.at[pl.ds(16 * _RPT, N - 16 * _RPT)],
                      out_hbm.at[c, pl.ds(16 * _RPT, N - 16 * _RPT)])

  return prop


_propagate_64 = _make_propagate(H1)
_propagate_32 = _make_propagate(2 * H2)



_BN = 1000


def _mm_kernel(x_ref, w_ref, o_ref):
  o_ref[...] = jnp.dot(x_ref[...], w_ref[...],
                       preferred_element_type=jnp.float32)


def _matmul_xw0(x, w0):
  return pl.pallas_call(
      _mm_kernel,
      grid=(N // _BN,),
      in_specs=[
          pl.BlockSpec((_BN, D_IN), lambda i: (i, 0)),
          pl.BlockSpec((D_IN, H1), lambda i: (0, 0)),
      ],
      out_specs=pl.BlockSpec((_BN, H1), lambda i: (i, 0)),
      out_shape=jax.ShapeDtypeStruct((N, H1), jnp.float32),
  )(x, w0)


def _relu_mm_kernel(p_ref, w1_ref, w2_ref, o_ref):
  h = jax.nn.relu(p_ref[0] + p_ref[1])
  w = jnp.concatenate([w1_ref[...], w2_ref[...]], axis=1)
  o_ref[...] = jnp.dot(h, w, preferred_element_type=jnp.float32)


def _relu_sum_matmul(p1, w1, w2):
  return pl.pallas_call(
      _relu_mm_kernel,
      grid=(N // _BN,),
      in_specs=[
          pl.BlockSpec((2, _BN, H1), lambda i: (0, i, 0)),
          pl.BlockSpec((H1, H2), lambda i: (0, 0)),
          pl.BlockSpec((H1, H2), lambda i: (0, 0)),
      ],
      out_specs=pl.BlockSpec((_BN, 2 * H2), lambda i: (i, 0)),
      out_shape=jax.ShapeDtypeStruct((N, 2 * H2), jnp.float32),
  )(p1, w1, w2)


def _reparam_kernel(p_ref, eps_ref, o_ref):
  s = p_ref[0] + p_ref[1]
  zm = s[:, :H2]
  zl = s[:, H2:]
  o_ref[...] = zm + eps_ref[...] * jnp.exp(zl)


def _reparam(p2, eps):
  return pl.pallas_call(
      _reparam_kernel,
      grid=(N // _BN,),
      in_specs=[
          pl.BlockSpec((2, _BN, 2 * H2), lambda i: (0, i, 0)),
          pl.BlockSpec((_BN, H2), lambda i: (i, 0)),
      ],
      out_specs=pl.BlockSpec((_BN, H2), lambda i: (i, 0)),
      out_shape=jax.ShapeDtypeStruct((N, H2), jnp.float32),
  )(p2, eps)


def _decode_kernel(zr_ref, zc_ref, o_ref):
  o_ref[...] = lax.dot_general(
      zr_ref[...], zc_ref[...], (((1,), (1,)), ((), ())),
      preferred_element_type=jnp.float32)


_BM_DEC = 400


def _decode(z):
  return pl.pallas_call(
      _decode_kernel,
      grid=(N // _BM_DEC,),
      in_specs=[
          pl.BlockSpec((_BM_DEC, H2), lambda i: (i, 0)),
          pl.BlockSpec((N, H2), lambda i: (0, 0)),
      ],
      out_specs=pl.BlockSpec((_BM_DEC, N), lambda i: (i, 0)),
      out_shape=jax.ShapeDtypeStruct((N, N), jnp.float32),
      compiler_params=pltpu.CompilerParams(
          dimension_semantics=("parallel",)),
  )(z, z)




def kernel(x, edge_index, eps, W0, W1, W2):
  ei = edge_index.astype(jnp.int32)
  pad = jnp.broadcast_to(
      jnp.array([[0], [N]], jnp.int32), (2, _E_PAD - E))
  edges = jnp.concatenate([ei, pad], axis=1).reshape(2, _N_CHUNKS, 128)
  zeros64 = jnp.zeros((_RPT, H1), jnp.float32)
  zeros32 = jnp.zeros((_RPT, 2 * H2), jnp.float32)

  xw0 = _matmul_xw0(x, W0)
  p1 = _propagate_64(xw0, edges, zeros64)
  hw = _relu_sum_matmul(p1, W1, W2)
  p2 = _propagate_32(hw, edges, zeros32)
  z = _reparam(p2, eps)
  return _decode(z).reshape(-1)

# --- scband reference (transcript-rebuilt; emitter-appended) ---
"""Pipeline reference for scband-gcnmodel-vae-82205674045912 (READ-ONLY COPY).

The authoritative reference and input builder live on the scoring server;
editing this copy changes nothing except your own understanding.
"""

import jax, jax.numpy as jnp
import numpy as np

N = 10000
E = 160000
D_IN = 128
H1 = 64
H2 = 16


def setup_inputs(seed: int = 0) -> dict:
    key = jax.random.key(seed)
    ks = jax.random.split(key, 7)
    x = jax.random.normal(ks[0], (N, D_IN), dtype=jnp.float32)
    edge_index = jax.random.randint(ks[1], (2, E), 0, N).astype(jnp.int64)
    eps = jax.random.normal(ks[2], (N, H2), dtype=jnp.float32)
    # Glorot-style init for GCN weight matrices
    W0 = jax.random.normal(ks[3], (D_IN, H1), dtype=jnp.float32) * (1.0 / np.sqrt(D_IN))
    W1 = jax.random.normal(ks[4], (H1, H2), dtype=jnp.float32) * (1.0 / np.sqrt(H1))
    W2 = jax.random.normal(ks[5], (H1, H2), dtype=jnp.float32) * (1.0 / np.sqrt(H1))
    return {"x": x, "edge_index": edge_index, "eps": eps, "W0": W0, "W1": W1, "W2": W2}


def _propagate(h, edge_index):
    # sparse adj @ h : gather from src nodes, scatter-add into dst nodes
    src = edge_index[0]
    dst = edge_index[1]
    return jax.ops.segment_sum(h[src], dst, num_segments=N)


def reference(x, edge_index, eps, W0, W1, W2):
    # GraphConvolutionSparse: relu(adj @ (x @ W0))  (dropout=0.0)
    h = jax.nn.relu(_propagate(jnp.dot(x, W0), edge_index))
    # GraphConvolution encoders (identity activation)
    z_mean = _propagate(jnp.dot(h, W1), edge_index)
    z_log_std = _propagate(jnp.dot(h, W2), edge_index)
    # reparameterization: z = mu + N(0,1) * exp(log_std)
    z = z_mean + eps * jnp.exp(z_log_std)
    # InnerProductDecoder with identity activation: flatten(z @ z^T)
    reconstructions = jnp.reshape(jnp.dot(z, z.T), (-1,))
    return reconstructions

if __name__ == "__main__":
    import jax
    _d = setup_inputs()
    print(jax.jit(kernel)(*tuple(_d.values())))

</pallas_src>

<mosaic_0001>
#map = affine_map<(d0, d1) -> (0, 0)>
#map1 = affine_map<(d0, d1) -> (0, 0, 0)>
module attributes {stable_mosaic.version = 14 : i64} {
  func.func @prop(%arg0: i32, %arg1: i32, %arg2: memref<10000x64xf32, #tpu.memory_space<hbm>>, %arg3: memref<2x1280x128xi32, #tpu.memory_space<hbm>>, %arg4: memref<624x64xf32, #tpu.memory_space<hbm>>, %arg5: memref<2x10000x64xf32, #tpu.memory_space<hbm>>, %arg6: memref<40x128xi32, #tpu.memory_space<vmem>>, %arg7: memref<40x128xi32, #tpu.memory_space<vmem>>, %arg8: memref<128x64xf32, #tpu.memory_space<vmem>>, %arg9: memref<128x64xf32, #tpu.memory_space<vmem>>, %arg10: memref<128x64xf32, #tpu.memory_space<vmem>>, %arg11: memref<128x64xf32, #tpu.memory_space<vmem>>, %arg12: memref<10016x64xf32, #tpu.memory_space<vmem_shared>>, %arg13: memref<10000x64xf32, #tpu.memory_space<vmem_shared>>, %arg14: memref<!tpu.dma_semaphore, #tpu.memory_space<semaphore_mem>>, %arg15: memref<!tpu.dma_semaphore, #tpu.memory_space<semaphore_mem>>, %arg16: memref<!tpu.dma_semaphore, #tpu.memory_space<semaphore_mem>>, %arg17: memref<!tpu.dma_semaphore, #tpu.memory_space<semaphore_mem>>, %arg18: memref<!tpu.dma_semaphore, #tpu.memory_space<semaphore_mem>>, %arg19: memref<!tpu.dma_semaphore, #tpu.memory_space<semaphore_mem>>, %arg20: memref<!tpu.dma_semaphore, #tpu.memory_space<semaphore_mem>>, %arg21: memref<!tpu.dma_semaphore, #tpu.memory_space<semaphore_mem>>) attributes {dimension_semantics = [#tpu.dimension_semantics<core_parallel>, #tpu.dimension_semantics<subcore_parallel>], iteration_bounds = array<i64: 2, 16>, scalar_prefetch = 0 : i64, scratch_operands = 16 : i64, tpu.core_type = #tpu.core_type<sc_vector_subcore>, window_params = [{transform_indices = #map}, {transform_indices = #map1}, {transform_indices = #map}, {transform_indices = #map1}]} {
    %mul3A = arith.constant 2 : i32
    %mul3A_0 = arith.muli %arg1, %mul3A : i32
    %add3A = arith.addi %mul3A_0, %arg0 : i32
    %mul3A_1 = arith.constant 40 : i32
    %mul3A_2 = arith.muli %add3A, %mul3A_1 : i32
    %run_scoped3A = arith.constant 0 : i32
    "tpu.region"() ({
      %run_scoped3A_62 = tpu.sem_alloc : memref<!tpu.dma_semaphore, #tpu.memory_space<semaphore_mem>>
      %dma_start3A_63 = arith.constant 0 : i32
      %dma_start3A_64 = tpu.memref_slice %arg3[%run_scoped3A, %mul3A_2, %dma_start3A_63] : memref<2x1280x128xi32, #tpu.memory_space<hbm>> -> memref<1x40x128xi32, #tpu.memory_space<hbm>>
      %dma_start3A_65 = tpu.memref_squeeze %dma_start3A_64 : memref<1x40x128xi32, #tpu.memory_space<hbm>> -> memref<40x128xi32, #tpu.memory_space<hbm>>
      %dma_start3A_66 = arith.constant 0 : i32
      %dma_start3A_67 = tpu.memref_slice %arg3[%run_scoped3A, %mul3A_2, %dma_start3A_66] : memref<2x1280x128xi32, #tpu.memory_space<hbm>> -> memref<1x40x128xi32, #tpu.memory_space<hbm>>
      %dma_start3A_68 = tpu.memref_squeeze %dma_start3A_67 : memref<1x40x128xi32, #tpu.memory_space<hbm>> -> memref<40x128xi32, #tpu.memory_space<hbm>>
      tpu.enqueue_dma source(%dma_start3A_68 : memref<40x128xi32, #tpu.memory_space<hbm>>) target(%arg6 : memref<40x128xi32, #tpu.memory_space<vmem>>) target_semaphore(%run_scoped3A_62 : memref<!tpu.dma_semaphore, #tpu.memory_space<semaphore_mem>>)
      %dma_wait3A = arith.constant 0 : i32
      %dma_wait3A_69 = tpu.memref_slice %arg3[%run_scoped3A, %mul3A_2, %dma_wait3A] : memref<2x1280x128xi32, #tpu.memory_space<hbm>> -> memref<1x40x128xi32, #tpu.memory_space<hbm>>
      %dma_wait3A_70 = tpu.memref_squeeze %dma_wait3A_69 : memref<1x40x128xi32, #tpu.memory_space<hbm>> -> memref<40x128xi32, #tpu.memory_space<hbm>>
      %dma_wait3A_71 = arith.constant 0 : i32
      %dma_wait3A_72 = tpu.memref_slice %arg3[%run_scoped3A, %mul3A_2, %dma_wait3A_71] : memref<2x1280x128xi32, #tpu.memory_space<hbm>> -> memref<1x40x128xi32, #tpu.memory_space<hbm>>
      %dma_wait3A_73 = tpu.memref_squeeze %dma_wait3A_72 : memref<1x40x128xi32, #tpu.memory_space<hbm>> -> memref<40x128xi32, #tpu.memory_space<hbm>>
      tpu.wait_dma2 semaphore(%run_scoped3A_62 : memref<!tpu.dma_semaphore, #tpu.memory_space<semaphore_mem>>) src(%dma_wait3A_73 : memref<40x128xi32, #tpu.memory_space<hbm>>) dst(%arg6 : memref<40x128xi32, #tpu.memory_space<vmem>>)
      tpu.yield
    }) : () -> ()
    %mul3A_3 = arith.constant 40 : i32
    %mul3A_4 = arith.muli %add3A, %mul3A_3 : i32
    %run_scoped3A_5 = arith.constant 1 : i32
    "tpu.region"() ({
      %run_scoped3A_62 = tpu.sem_alloc : memref<!tpu.dma_semaphore, #tpu.memory_space<semaphore_mem>>
      %dma_start3A_63 = arith.constant 0 : i32
      %dma_start3A_64 = tpu.memref_slice %arg3[%run_scoped3A_5, %mul3A_4, %dma_start3A_63] : memref<2x1280x128xi32, #tpu.memory_space<hbm>> -> memref<1x40x128xi32, #tpu.memory_space<hbm>>
      %dma_start3A_65 = tpu.memref_squeeze %dma_start3A_64 : memref<1x40x128xi32, #tpu.memory_space<hbm>> -> memref<40x128xi32, #tpu.memory_space<hbm>>
      %dma_start3A_66 = arith.constant 0 : i32
      %dma_start3A_67 = tpu.memref_slice %arg3[%run_scoped3A_5, %mul3A_4, %dma_start3A_66] : memref<2x1280x128xi32, #tpu.memory_space<hbm>> -> memref<1x40x128xi32, #tpu.memory_space<hbm>>
      %dma_start3A_68 = tpu.memref_squeeze %dma_start3A_67 : memref<1x40x128xi32, #tpu.memory_space<hbm>> -> memref<40x128xi32, #tpu.memory_space<hbm>>
      tpu.enqueue_dma source(%dma_start3A_68 : memref<40x128xi32, #tpu.memory_space<hbm>>) target(%arg7 : memref<40x128xi32, #tpu.memory_space<vmem>>) target_semaphore(%run_scoped3A_62 : memref<!tpu.dma_semaphore, #tpu.memory_space<semaphore_mem>>)
      %dma_wait3A = arith.constant 0 : i32
      %dma_wait3A_69 = tpu.memref_slice %arg3[%run_scoped3A_5, %mul3A_4, %dma_wait3A] : memref<2x1280x128xi32, #tpu.memory_space<hbm>> -> memref<1x40x128xi32, #tpu.memory_space<hbm>>
      %dma_wait3A_70 = tpu.memref_squeeze %dma_wait3A_69 : memref<1x40x128xi32, #tpu.memory_space<hbm>> -> memref<40x128xi32, #tpu.memory_space<hbm>>
      %dma_wait3A_71 = arith.constant 0 : i32
      %dma_wait3A_72 = tpu.memref_slice %arg3[%run_scoped3A_5, %mul3A_4, %dma_wait3A_71] : memref<2x1280x128xi32, #tpu.memory_space<hbm>> -> memref<1x40x128xi32, #tpu.memory_space<hbm>>
      %dma_wait3A_73 = tpu.memref_squeeze %dma_wait3A_72 : memref<1x40x128xi32, #tpu.memory_space<hbm>> -> memref<40x128xi32, #tpu.memory_space<hbm>>
      tpu.wait_dma2 semaphore(%run_scoped3A_62 : memref<!tpu.dma_semaphore, #tpu.memory_space<semaphore_mem>>) src(%dma_wait3A_73 : memref<40x128xi32, #tpu.memory_space<hbm>>) dst(%arg7 : memref<40x128xi32, #tpu.memory_space<vmem>>)
      tpu.yield
    }) : () -> ()
    %mul3A_6 = arith.constant 624 : i32
    %mul3A_7 = arith.muli %arg1, %mul3A_6 : i32
    %mul3A_8 = arith.constant 624 : i32
    %mul3A_9 = arith.muli %arg1, %mul3A_8 : i32
    "tpu.region"() ({
      %run_scoped3A_62 = tpu.sem_alloc : memref<!tpu.dma_semaphore, #tpu.memory_space<semaphore_mem>>
      %dma_start3A_63 = arith.constant 0 : i32
      %dma_start3A_64 = tpu.memref_slice %arg13[%mul3A_9, %dma_start3A_63] : memref<10000x64xf32, #tpu.memory_space<vmem_shared>> -> memref<624x64xf32, #tpu.memory_space<vmem_shared>>
      %dma_start3A_65 = arith.constant 0 : i32
      %dma_start3A_66 = tpu.memref_slice %arg2[%mul3A_7, %dma_start3A_65] : memref<10000x64xf32, #tpu.memory_space<hbm>> -> memref<624x64xf32, #tpu.memory_space<hbm>>
      tpu.enqueue_dma source(%dma_start3A_66 : memref<624x64xf32, #tpu.memory_space<hbm>>) target(%dma_start3A_64 : memref<624x64xf32, #tpu.memory_space<vmem_shared>>) target_semaphore(%run_scoped3A_62 : memref<!tpu.dma_semaphore, #tpu.memory_space<semaphore_mem>>)
      %dma_wait3A = arith.constant 0 : i32
      %dma_wait3A_67 = tpu.memref_slice %arg13[%mul3A_9, %dma_wait3A] : memref<10000x64xf32, #tpu.memory_space<vmem_shared>> -> memref<624x64xf32, #tpu.memory_space<vmem_shared>>
      %dma_wait3A_68 = arith.constant 0 : i32
      %dma_wait3A_69 = tpu.memref_slice %arg2[%mul3A_7, %dma_wait3A_68] : memref<10000x64xf32, #tpu.memory_space<hbm>> -> memref<624x64xf32, #tpu.memory_space<hbm>>
      tpu.wait_dma2 semaphore(%run_scoped3A_62 : memref<!tpu.dma_semaphore, #tpu.memory_space<semaphore_mem>>) src(%dma_wait3A_69 : memref<624x64xf32, #tpu.memory_space<hbm>>) dst(%dma_wait3A_67 : memref<624x64xf32, #tpu.memory_space<vmem_shared>>)
      tpu.yield
    }) : () -> ()
    %eq3A = arith.constant 15 : i32
    %eq3A_10 = arith.cmpi eq, %arg1, %eq3A : i32
    %convert_element_type3A = arith.extui %eq3A_10 : i1 to i32
    %cond3A = arith.constant 0 : i32
    %cond3A_11 = arith.cmpi ne, %convert_element_type3A, %cond3A : i32
    scf.if %cond3A_11 {
      "tpu.region"() ({
        %run_scoped3A_62 = tpu.sem_alloc : memref<!tpu.dma_semaphore, #tpu.memory_space<semaphore_mem>>
        %dma_start3A_63 = arith.constant 9984 : i32
        %dma_start3A_64 = arith.constant 0 : i32
        %dma_start3A_65 = tpu.memref_slice %arg13[%dma_start3A_63, %dma_start3A_64] : memref<10000x64xf32, #tpu.memory_space<vmem_shared>> -> memref<16x64xf32, #tpu.memory_space<vmem_shared>>
        %dma_start3A_66 = arith.constant 9984 : i32
        %dma_start3A_67 = arith.constant 0 : i32
        %dma_start3A_68 = tpu.memref_slice %arg2[%dma_start3A_66, %dma_start3A_67] : memref<10000x64xf32, #tpu.memory_space<hbm>> -> memref<16x64xf32, #tpu.memory_space<hbm>>
        tpu.enqueue_dma source(%dma_start3A_68 : memref<16x64xf32, #tpu.memory_space<hbm>>) target(%dma_start3A_65 : memref<16x64xf32, #tpu.memory_space<vmem_shared>>) target_semaphore(%run_scoped3A_62 : memref<!tpu.dma_semaphore, #tpu.memory_space<semaphore_mem>>)
        %dma_wait3A = arith.constant 9984 : i32
        %dma_wait3A_69 = arith.constant 0 : i32
        %dma_wait3A_70 = tpu.memref_slice %arg13[%dma_wait3A, %dma_wait3A_69] : memref<10000x64xf32, #tpu.memory_space<vmem_shared>> -> memref<16x64xf32, #tpu.memory_space<vmem_shared>>
        %dma_wait3A_71 = arith.constant 9984 : i32
        %dma_wait3A_72 = arith.constant 0 : i32
        %dma_wait3A_73 = tpu.memref_slice %arg2[%dma_wait3A_71, %dma_wait3A_72] : memref<10000x64xf32, #tpu.memory_space<hbm>> -> memref<16x64xf32, #tpu.memory_space<hbm>>
        tpu.wait_dma2 semaphore(%run_scoped3A_62 : memref<!tpu.dma_semaphore, #tpu.memory_space<semaphore_mem>>) src(%dma_wait3A_73 : memref<16x64xf32, #tpu.memory_space<hbm>>) dst(%dma_wait3A_70 : memref<16x64xf32, #tpu.memory_space<vmem_shared>>)
        tpu.yield
      }) : () -> ()
    } else {
    }
    %mul3A_12 = arith.constant 624 : i32
    %mul3A_13 = arith.muli %arg1, %mul3A_12 : i32
    "tpu.region"() ({
      %run_scoped3A_62 = tpu.sem_alloc : memref<!tpu.dma_semaphore, #tpu.memory_space<semaphore_mem>>
      %dma_start3A_63 = arith.constant 0 : i32
      %dma_start3A_64 = tpu.memref_slice %arg12[%mul3A_13, %dma_start3A_63] : memref<10016x64xf32, #tpu.memory_space<vmem_shared>> -> memref<624x64xf32, #tpu.memory_space<vmem_shared>>
      %dma_start3A_65 = arith.constant 0 : i32
      %dma_start3A_66 = arith.constant 0 : i32
      %dma_start3A_67 = tpu.memref_slice %arg4[%dma_start3A_65, %dma_start3A_66] : memref<624x64xf32, #tpu.memory_space<hbm>> -> memref<624x64xf32, #tpu.memory_space<hbm>>
      tpu.enqueue_dma source(%dma_start3A_67 : memref<624x64xf32, #tpu.memory_space<hbm>>) target(%dma_start3A_64 : memref<624x64xf32, #tpu.memory_space<vmem_shared>>) target_semaphore(%run_scoped3A_62 : memref<!tpu.dma_semaphore, #tpu.memory_space<semaphore_mem>>)
      %dma_wait3A = arith.constant 0 : i32
      %dma_wait3A_68 = tpu.memref_slice %arg12[%mul3A_13, %dma_wait3A] : memref<10016x64xf32, #tpu.memory_space<vmem_shared>> -> memref<624x64xf32, #tpu.memory_space<vmem_shared>>
      %dma_wait3A_69 = arith.constant 0 : i32
      %dma_wait3A_70 = arith.constant 0 : i32
      %dma_wait3A_71 = tpu.memref_slice %arg4[%dma_wait3A_69, %dma_wait3A_70] : memref<624x64xf32, #tpu.memory_space<hbm>> -> memref<624x64xf32, #tpu.memory_space<hbm>>
      tpu.wait_dma2 semaphore(%run_scoped3A_62 : memref<!tpu.dma_semaphore, #tpu.memory_space<semaphore_mem>>) src(%dma_wait3A_71 : memref<624x64xf32, #tpu.memory_space<hbm>>) dst(%dma_wait3A_68 : memref<624x64xf32, #tpu.memory_space<vmem_shared>>)
      tpu.yield
    }) : () -> ()
    %eq3A_14 = arith.constant 15 : i32
    %eq3A_15 = arith.cmpi eq, %arg1, %eq3A_14 : i32
    %convert_element_type3A_16 = arith.extui %eq3A_15 : i1 to i32
    %cond3A_17 = arith.constant 0 : i32
    %cond3A_18 = arith.cmpi ne, %convert_element_type3A_16, %cond3A_17 : i32
    scf.if %cond3A_18 {
      "tpu.region"() ({
        %run_scoped3A_62 = tpu.sem_alloc : memref<!tpu.dma_semaphore, #tpu.memory_space<semaphore_mem>>
        %dma_start3A_63 = arith.constant 9984 : i32
        %dma_start3A_64 = arith.constant 0 : i32
        %dma_start3A_65 = tpu.memref_slice %arg12[%dma_start3A_63, %dma_start3A_64] : memref<10016x64xf32, #tpu.memory_space<vmem_shared>> -> memref<32x64xf32, #tpu.memory_space<vmem_shared>>
        %dma_start3A_66 = arith.constant 0 : i32
        %dma_start3A_67 = arith.constant 0 : i32
        %dma_start3A_68 = tpu.memref_slice %arg4[%dma_start3A_66, %dma_start3A_67] : memref<624x64xf32, #tpu.memory_space<hbm>> -> memref<32x64xf32, #tpu.memory_space<hbm>>
        tpu.enqueue_dma source(%dma_start3A_68 : memref<32x64xf32, #tpu.memory_space<hbm>>) target(%dma_start3A_65 : memref<32x64xf32, #tpu.memory_space<vmem_shared>>) target_semaphore(%run_scoped3A_62 : memref<!tpu.dma_semaphore, #tpu.memory_space<semaphore_mem>>)
        %dma_wait3A = arith.constant 9984 : i32
        %dma_wait3A_69 = arith.constant 0 : i32
        %dma_wait3A_70 = tpu.memref_slice %arg12[%dma_wait3A, %dma_wait3A_69] : memref<10016x64xf32, #tpu.memory_space<vmem_shared>> -> memref<32x64xf32, #tpu.memory_space<vmem_shared>>
        %dma_wait3A_71 = arith.constant 0 : i32
        %dma_wait3A_72 = arith.constant 0 : i32
        %dma_wait3A_73 = tpu.memref_slice %arg4[%dma_wait3A_71, %dma_wait3A_72] : memref<624x64xf32, #tpu.memory_space<hbm>> -> memref<32x64xf32, #tpu.memory_space<hbm>>
        tpu.wait_dma2 semaphore(%run_scoped3A_62 : memref<!tpu.dma_semaphore, #tpu.memory_space<semaphore_mem>>) src(%dma_wait3A_73 : memref<32x64xf32, #tpu.memory_space<hbm>>) dst(%dma_wait3A_70 : memref<32x64xf32, #tpu.memory_space<vmem_shared>>)
        tpu.yield
      }) : () -> ()
    } else {
    }
    %barrier3A = arith.constant 0 : index
    tpu.barrier barrier_id(%barrier3A)
    %dma_start3A = arith.constant 0 : i32
    %dma_start3A_19 = arith.constant 0 : i32
    %dma_start3A_20 = tpu.memref_slice %arg6[%dma_start3A, %dma_start3A_19] : memref<40x128xi32, #tpu.memory_space<vmem>> -> memref<1x128xi32, #tpu.memory_space<vmem>>
    %dma_start3A_21 = tpu.memref_squeeze %dma_start3A_20 : memref<1x128xi32, #tpu.memory_space<vmem>> -> memref<128xi32, #tpu.memory_space<vmem>>
    %dma_start3A_22 = arith.constant 0 : i32
    %dma_start3A_23 = arith.constant 0 : i32
    %dma_start3A_24 = tpu.memref_slice %arg13[%dma_start3A_22, %dma_start3A_23] : memref<10000x64xf32, #tpu.memory_space<vmem_shared>> -> memref<10000x64xf32, #tpu.memory_space<vmem_shared>>
    tpu.enqueue_indirect_dma source(%dma_start3A_24 : memref<10000x64xf32, #tpu.memory_space<vmem_shared>>) target(%arg8 : memref<128x64xf32, #tpu.memory_space<vmem>>) offsets(%dma_start3A_21 : memref<128xi32, #tpu.memory_space<vmem>>) semaphore(%arg14 : memref<!tpu.dma_semaphore, #tpu.memory_space<semaphore_mem>>)
    %dma_start3A_25 = arith.constant 1 : i32
    %dma_start3A_26 = arith.constant 0 : i32
    %dma_start3A_27 = tpu.memref_slice %arg6[%dma_start3A_25, %dma_start3A_26] : memref<40x128xi32, #tpu.memory_space<vmem>> -> memref<1x128xi32, #tpu.memory_space<vmem>>
    %dma_start3A_28 = tpu.memref_squeeze %dma_start3A_27 : memref<1x128xi32, #tpu.memory_space<vmem>> -> memref<128xi32, #tpu.memory_space<vmem>>
    %dma_start3A_29 = arith.constant 0 : i32
    %dma_start3A_30 = arith.constant 0 : i32
    %dma_start3A_31 = tpu.memref_slice %arg13[%dma_start3A_29, %dma_start3A_30] : memref<10000x64xf32, #tpu.memory_space<vmem_shared>> -> memref<10000x64xf32, #tpu.memory_space<vmem_shared>>
    tpu.enqueue_indirect_dma source(%dma_start3A_31 : memref<10000x64xf32, #tpu.memory_space<vmem_shared>>) target(%arg9 : memref<128x64xf32, #tpu.memory_space<vmem>>) offsets(%dma_start3A_28 : memref<128xi32, #tpu.memory_space<vmem>>) semaphore(%arg15 : memref<!tpu.dma_semaphore, #tpu.memory_space<semaphore_mem>>)
    %dma_start3A_32 = arith.constant 2 : i32
    %dma_start3A_33 = arith.constant 0 : i32
    %dma_start3A_34 = tpu.memref_slice %arg6[%dma_start3A_32, %dma_start3A_33] : memref<40x128xi32, #tpu.memory_space<vmem>> -> memref<1x128xi32, #tpu.memory_space<vmem>>
    %dma_start3A_35 = tpu.memref_squeeze %dma_start3A_34 : memref<1x128xi32, #tpu.memory_space<vmem>> -> memref<128xi32, #tpu.memory_space<vmem>>
    %dma_start3A_36 = arith.constant 0 : i32
    %dma_start3A_37 = arith.constant 0 : i32
    %dma_start3A_38 = tpu.memref_slice %arg13[%dma_start3A_36, %dma_start3A_37] : memref<10000x64xf32, #tpu.memory_space<vmem_shared>> -> memref<10000x64xf32, #tpu.memory_space<vmem_shared>>
    tpu.enqueue_indirect_dma source(%dma_start3A_38 : memref<10000x64xf32, #tpu.memory_space<vmem_shared>>) target(%arg10 : memref<128x64xf32, #tpu.memory_space<vmem>>) offsets(%dma_start3A_35 : memref<128xi32, #tpu.memory_space<vmem>>) semaphore(%arg16 : memref<!tpu.dma_semaphore, #tpu.memory_space<semaphore_mem>>)
    %dma_start3A_39 = arith.constant 3 : i32
    %dma_start3A_40 = arith.constant 0 : i32
    %dma_start3A_41 = tpu.memref_slice %arg6[%dma_start3A_39, %dma_start3A_40] : memref<40x128xi32, #tpu.memory_space<vmem>> -> memref<1x128xi32, #tpu.memory_space<vmem>>
    %dma_start3A_42 = tpu.memref_squeeze %dma_start3A_41 : memref<1x128xi32, #tpu.memory_space<vmem>> -> memref<128xi32, #tpu.memory_space<vmem>>
    %dma_start3A_43 = arith.constant 0 : i32
    %dma_start3A_44 = arith.constant 0 : i32
    %dma_start3A_45 = tpu.memref_slice %arg13[%dma_start3A_43, %dma_start3A_44] : memref<10000x64xf32, #tpu.memory_space<vmem_shared>> -> memref<10000x64xf32, #tpu.memory_space<vmem_shared>>
    tpu.enqueue_indirect_dma source(%dma_start3A_45 : memref<10000x64xf32, #tpu.memory_space<vmem_shared>>) target(%arg11 : memref<128x64xf32, #tpu.memory_space<vmem>>) offsets(%dma_start3A_42 : memref<128xi32, #tpu.memory_space<vmem>>) semaphore(%arg17 : memref<!tpu.dma_semaphore, #tpu.memory_space<semaphore_mem>>)
    %scan3A = arith.constant 0 : i32
    %scan3A_46 = arith.constant 0 : i32
    %scan3A_47 = arith.constant 10 : i32
    %scan3A_48 = arith.addi %scan3A_46, %scan3A_47 : i32
    %scan3A_49 = arith.constant 1 : i32
    %scan3A_50 = scf.for %scan3A_62 = %scan3A_46 to %scan3A_48 step %scan3A_49 iter_args(%scan3A_63 = %scan3A) -> (i32)  : i32 {
      %mul3A_64 = arith.constant 4 : i32
      %mul3A_65 = arith.muli %scan3A_62, %mul3A_64 : i32
      %dma_wait3A = arith.constant 0 : i32
      %dma_wait3A_66 = arith.constant 0 : i32
      %dma_wait3A_67 = tpu.memref_slice %arg6[%dma_wait3A, %dma_wait3A_66] : memref<40x128xi32, #tpu.memory_space<vmem>> -> memref<1x128xi32, #tpu.memory_space<vmem>>
      %dma_wait3A_68 = tpu.memref_squeeze %dma_wait3A_67 : memref<1x128xi32, #tpu.memory_space<vmem>> -> memref<128xi32, #tpu.memory_space<vmem>>
      %dma_wait3A_69 = arith.constant 0 : i32
      %dma_wait3A_70 = arith.constant 0 : i32
      %dma_wait3A_71 = tpu.memref_slice %arg13[%dma_wait3A_69, %dma_wait3A_70] : memref<10000x64xf32, #tpu.memory_space<vmem_shared>> -> memref<10000x64xf32, #tpu.memory_space<vmem_shared>>
      tpu.wait_indirect_dma semaphore(%arg14 : memref<!tpu.dma_semaphore, #tpu.memory_space<semaphore_mem>>) src(%dma_wait3A_71 : memref<10000x64xf32, #tpu.memory_space<vmem_shared>>) dst(%arg8 : memref<128x64xf32, #tpu.memory_space<vmem>>)
      %add3A_72 = arith.constant 0 : i32
      %add3A_73 = arith.addi %mul3A_65, %add3A_72 : i32
      %dma_start3A_74 = arith.constant 0 : i32
      %dma_start3A_75 = tpu.memref_slice %arg7[%add3A_73, %dma_start3A_74] : memref<40x128xi32, #tpu.memory_space<vmem>> -> memref<1x128xi32, #tpu.memory_space<vmem>>
      %dma_start3A_76 = tpu.memref_squeeze %dma_start3A_75 : memref<1x128xi32, #tpu.memory_space<vmem>> -> memref<128xi32, #tpu.memory_space<vmem>>
      %dma_start3A_77 = arith.constant 0 : i32
      %dma_start3A_78 = arith.constant 0 : i32
      %dma_start3A_79 = tpu.memref_slice %arg12[%dma_start3A_77, %dma_start3A_78] : memref<10016x64xf32, #tpu.memory_space<vmem_shared>> -> memref<10016x64xf32, #tpu.memory_space<vmem_shared>>
      tpu.enqueue_indirect_dma source(%arg8 : memref<128x64xf32, #tpu.memory_space<vmem>>) target(%dma_start3A_79 : memref<10016x64xf32, #tpu.memory_space<vmem_shared>>) offsets(%dma_start3A_76 : memref<128xi32, #tpu.memory_space<vmem>>) semaphore(%arg18 : memref<!tpu.dma_semaphore, #tpu.memory_space<semaphore_mem>>) {add = true}
      %dma_wait3A_80 = arith.constant 0 : i32
      %dma_wait3A_81 = arith.constant 0 : i32
      %dma_wait3A_82 = tpu.memref_slice %arg6[%dma_wait3A_80, %dma_wait3A_81] : memref<40x128xi32, #tpu.memory_space<vmem>> -> memref<1x128xi32, #tpu.memory_space<vmem>>
      %dma_wait3A_83 = tpu.memref_squeeze %dma_wait3A_82 : memref<1x128xi32, #tpu.memory_space<vmem>> -> memref<128xi32, #tpu.memory_space<vmem>>
      %dma_wait3A_84 = arith.constant 0 : i32
      %dma_wait3A_85 = arith.constant 0 : i32
      %dma_wait3A_86 = tpu.memref_slice %arg13[%dma_wait3A_84, %dma_wait3A_85] : memref<10000x64xf32, #tpu.memory_space<vmem_shared>> -> memref<10000x64xf32, #tpu.memory_space<vmem_shared>>
      tpu.wait_indirect_dma semaphore(%arg15 : memref<!tpu.dma_semaphore, #tpu.memory_space<semaphore_mem>>) src(%dma_wait3A_86 : memref<10000x64xf32, #tpu.memory_space<vmem_shared>>) dst(%arg9 : memref<128x64xf32, #tpu.memory_space<vmem>>)
      %add3A_87 = arith.constant 1 : i32
      %add3A_88 = arith.addi %mul3A_65, %add3A_87 : i32
      %dma_start3A_89 = arith.constant 0 : i32
      %dma_start3A_90 = tpu.memref_slice %arg7[%add3A_88, %dma_start3A_89] : memref<40x128xi32, #tpu.memory_space<vmem>> -> memref<1x128xi32, #tpu.memory_space<vmem>>
      %dma_start3A_91 = tpu.memref_squeeze %dma_start3A_90 : memref<1x128xi32, #tpu.memory_space<vmem>> -> memref<128xi32, #tpu.memory_space<vmem>>
      %dma_start3A_92 = arith.constant 0 : i32
      %dma_start3A_93 = arith.constant 0 : i32
      %dma_start3A_94 = tpu.memref_slice %arg12[%dma_start3A_92, %dma_start3A_93] : memref<10016x64xf32, #tpu.memory_space<vmem_shared>> -> memref<10016x64xf32, #tpu.memory_space<vmem_shared>>
      tpu.enqueue_indirect_dma source(%arg9 : memref<128x64xf32, #tpu.memory_space<vmem>>) target(%dma_start3A_94 : memref<10016x64xf32, #tpu.memory_space<vmem_shared>>) offsets(%dma_start3A_91 : memref<128xi32, #tpu.memory_space<vmem>>) semaphore(%arg19 : memref<!tpu.dma_semaphore, #tpu.memory_space<semaphore_mem>>) {add = true}
      %dma_wait3A_95 = arith.constant 0 : i32
      %dma_wait3A_96 = arith.constant 0 : i32
      %dma_wait3A_97 = tpu.memref_slice %arg6[%dma_wait3A_95, %dma_wait3A_96] : memref<40x128xi32, #tpu.memory_space<vmem>> -> memref<1x128xi32, #tpu.memory_space<vmem>>
      %dma_wait3A_98 = tpu.memref_squeeze %dma_wait3A_97 : memref<1x128xi32, #tpu.memory_space<vmem>> -> memref<128xi32, #tpu.memory_space<vmem>>
      %dma_wait3A_99 = arith.constant 0 : i32
      %dma_wait3A_100 = arith.constant 0 : i32
      %dma_wait3A_101 = tpu.memref_slice %arg13[%dma_wait3A_99, %dma_wait3A_100] : memref<10000x64xf32, #tpu.memory_space<vmem_shared>> -> memref<10000x64xf32, #tpu.memory_space<vmem_shared>>
      tpu.wait_indirect_dma semaphore(%arg16 : memref<!tpu.dma_semaphore, #tpu.memory_space<semaphore_mem>>) src(%dma_wait3A_101 : memref<10000x64xf32, #tpu.memory_space<vmem_shared>>) dst(%arg10 : memref<128x64xf32, #tpu.memory_space<vmem>>)
      %add3A_102 = arith.constant 2 : i32
      %add3A_103 = arith.addi %mul3A_65, %add3A_102 : i32
      %dma_start3A_104 = arith.constant 0 : i32
      %dma_start3A_105 = tpu.memref_slice %arg7[%add3A_103, %dma_start3A_104] : memref<40x128xi32, #tpu.memory_space<vmem>> -> memref<1x128xi32, #tpu.memory_space<vmem>>
      %dma_start3A_106 = tpu.memref_squeeze %dma_start3A_105 : memref<1x128xi32, #tpu.memory_space<vmem>> -> memref<128xi32, #tpu.memory_space<vmem>>
      %dma_start3A_107 = arith.constant 0 : i32
      %dma_start3A_108 = arith.constant 0 : i32
      %dma_start3A_109 = tpu.memref_slice %arg12[%dma_start3A_107, %dma_start3A_108] : memref<10016x64xf32, #tpu.memory_space<vmem_shared>> -> memref<10016x64xf32, #tpu.memory_space<vmem_shared>>
      tpu.enqueue_indirect_dma source(%arg10 : memref<128x64xf32, #tpu.memory_space<vmem>>) target(%dma_start3A_109 : memref<10016x64xf32, #tpu.memory_space<vmem_shared>>) offsets(%dma_start3A_106 : memref<128xi32, #tpu.memory_space<vmem>>) semaphore(%arg20 : memref<!tpu.dma_semaphore, #tpu.memory_space<semaphore_mem>>) {add = true}
      %dma_wait3A_110 = arith.constant 0 : i32
      %dma_wait3A_111 = arith.constant 0 : i32
      %dma_wait3A_112 = tpu.memref_slice %arg6[%dma_wait3A_110, %dma_wait3A_111] : memref<40x128xi32, #tpu.memory_space<vmem>> -> memref<1x128xi32, #tpu.memory_space<vmem>>
      %dma_wait3A_113 = tpu.memref_squeeze %dma_wait3A_112 : memref<1x128xi32, #tpu.memory_space<vmem>> -> memref<128xi32, #tpu.memory_space<vmem>>
      %dma_wait3A_114 = arith.constant 0 : i32
      %dma_wait3A_115 = arith.constant 0 : i32
      %dma_wait3A_116 = tpu.memref_slice %arg13[%dma_wait3A_114, %dma_wait3A_115] : memref<10000x64xf32, #tpu.memory_space<vmem_shared>> -> memref<10000x64xf32, #tpu.memory_space<vmem_shared>>
      tpu.wait_indirect_dma semaphore(%arg17 : memref<!tpu.dma_semaphore, #tpu.memory_space<semaphore_mem>>) src(%dma_wait3A_116 : memref<10000x64xf32, #tpu.memory_space<vmem_shared>>) dst(%arg11 : memref<128x64xf32, #tpu.memory_space<vmem>>)
      %add3A_117 = arith.constant 3 : i32
      %add3A_118 = arith.addi %mul3A_65, %add3A_117 : i32
      %dma_start3A_119 = arith.constant 0 : i32
      %dma_start3A_120 = tpu.memref_slice %arg7[%add3A_118, %dma_start3A_119] : memref<40x128xi32, #tpu.memory_space<vmem>> -> memref<1x128xi32, #tpu.memory_space<vmem>>
      %dma_start3A_121 = tpu.memref_squeeze %dma_start3A_120 : memref<1x128xi32, #tpu.memory_space<vmem>> -> memref<128xi32, #tpu.memory_space<vmem>>
      %dma_start3A_122 = arith.constant 0 : i32
      %dma_start3A_123 = arith.constant 0 : i32
      %dma_start3A_124 = tpu.memref_slice %arg12[%dma_start3A_122, %dma_start3A_123] : memref<10016x64xf32, #tpu.memory_space<vmem_shared>> -> memref<10016x64xf32, #tpu.memory_space<vmem_shared>>
      tpu.enqueue_indirect_dma source(%arg11 : memref<128x64xf32, #tpu.memory_space<vmem>>) target(%dma_start3A_124 : memref<10016x64xf32, #tpu.memory_space<vmem_shared>>) offsets(%dma_start3A_121 : memref<128xi32, #tpu.memory_space<vmem>>) semaphore(%arg21 : memref<!tpu.dma_semaphore, #tpu.memory_space<semaphore_mem>>) {add = true}
      %dma_wait3A_125 = arith.constant 0 : i32
      %dma_wait3A_126 = arith.constant 0 : i32
      %dma_wait3A_127 = tpu.memref_slice %arg7[%dma_wait3A_125, %dma_wait3A_126] : memref<40x128xi32, #tpu.memory_space<vmem>> -> memref<1x128xi32, #tpu.memory_space<vmem>>
      %dma_wait3A_128 = tpu.memref_squeeze %dma_wait3A_127 : memref<1x128xi32, #tpu.memory_space<vmem>> -> memref<128xi32, #tpu.memory_space<vmem>>
      %dma_wait3A_129 = arith.constant 0 : i32
      %dma_wait3A_130 = arith.constant 0 : i32
      %dma_wait3A_131 = tpu.memref_slice %arg12[%dma_wait3A_129, %dma_wait3A_130] : memref<10016x64xf32, #tpu.memory_space<vmem_shared>> -> memref<10016x64xf32, #tpu.memory_space<vmem_shared>>
      tpu.wait_indirect_dma semaphore(%arg18 : memref<!tpu.dma_semaphore, #tpu.memory_space<semaphore_mem>>) src(%arg8 : memref<128x64xf32, #tpu.memory_space<vmem>>) dst(%dma_wait3A_131 : memref<10016x64xf32, #tpu.memory_space<vmem_shared>>)
      %add3A_132 = arith.constant 1 : i32
      %add3A_133 = arith.addi %scan3A_62, %add3A_132 : i32
      %lt3A = arith.constant 10 : i32
      %lt3A_134 = arith.cmpi slt, %add3A_133, %lt3A : i32
      %convert_element_type3A_135 = arith.extui %lt3A_134 : i1 to i32
      %cond3A_136 = arith.constant 0 : i32
      %cond3A_137 = arith.cmpi ne, %convert_element_type3A_135, %cond3A_136 : i32
      scf.if %cond3A_137 {
        %add3A_181 = arith.constant 4 : i32
        %add3A_182 = arith.addi %mul3A_65, %add3A_181 : i32
        %add3A_183 = arith.constant 0 : i32
        %add3A_184 = arith.addi %add3A_182, %add3A_183 : i32
        %dma_start3A_185 = arith.constant 0 : i32
        %dma_start3A_186 = tpu.memref_slice %arg6[%add3A_184, %dma_start3A_185] : memref<40x128xi32, #tpu.memory_space<vmem>> -> memref<1x128xi32, #tpu.memory_space<vmem>>
        %dma_start3A_187 = tpu.memref_squeeze %dma_start3A_186 : memref<1x128xi32, #tpu.memory_space<vmem>> -> memref<128xi32, #tpu.memory_space<vmem>>
        %dma_start3A_188 = arith.constant 0 : i32
        %dma_start3A_189 = arith.constant 0 : i32
        %dma_start3A_190 = tpu.memref_slice %arg13[%dma_start3A_188, %dma_start3A_189] : memref<10000x64xf32, #tpu.memory_space<vmem_shared>> -> memref<10000x64xf32, #tpu.memory_space<vmem_shared>>
        tpu.enqueue_indirect_dma source(%dma_start3A_190 : memref<10000x64xf32, #tpu.memory_space<vmem_shared>>) target(%arg8 : memref<128x64xf32, #tpu.memory_space<vmem>>) offsets(%dma_start3A_187 : memref<128xi32, #tpu.memory_space<vmem>>) semaphore(%arg14 : memref<!tpu.dma_semaphore, #tpu.memory_space<semaphore_mem>>)
      } else {
      }
      %dma_wait3A_138 = arith.constant 0 : i32
      %dma_wait3A_139 = arith.constant 0 : i32
      %dma_wait3A_140 = tpu.memref_slice %arg7[%dma_wait3A_138, %dma_wait3A_139] : memref<40x128xi32, #tpu.memory_space<vmem>> -> memref<1x128xi32, #tpu.memory_space<vmem>>
      %dma_wait3A_141 = tpu.memref_squeeze %dma_wait3A_140 : memref<1x128xi32, #tpu.memory_space<vmem>> -> memref<128xi32, #tpu.memory_space<vmem>>
      %dma_wait3A_142 = arith.constant 0 : i32
      %dma_wait3A_143 = arith.constant 0 : i32
      %dma_wait3A_144 = tpu.memref_slice %arg12[%dma_wait3A_142, %dma_wait3A_143] : memref<10016x64xf32, #tpu.memory_space<vmem_shared>> -> memref<10016x64xf32, #tpu.memory_space<vmem_shared>>
      tpu.wait_indirect_dma semaphore(%arg19 : memref<!tpu.dma_semaphore, #tpu.memory_space<semaphore_mem>>) src(%arg9 : memref<128x64xf32, #tpu.memory_space<vmem>>) dst(%dma_wait3A_144 : memref<10016x64xf32, #tpu.memory_space<vmem_shared>>)
      %add3A_145 = arith.constant 1 : i32
      %add3A_146 = arith.addi %scan3A_62, %add3A_145 : i32
      %lt3A_147 = arith.constant 10 : i32
      %lt3A_148 = arith.cmpi slt, %add3A_146, %lt3A_147 : i32
      %convert_element_type3A_149 = arith.extui %lt3A_148 : i1 to i32
      %cond3A_150 = arith.constant 0 : i32
      %cond3A_151 = arith.cmpi ne, %convert_element_type3A_149, %cond3A_150 : i32
      scf.if %cond3A_151 {
        %add3A_181 = arith.constant 4 : i32
        %add3A_182 = arith.addi %mul3A_65, %add3A_181 : i32
        %add3A_183 = arith.constant 1 : i32
        %add3A_184 = arith.addi %add3A_182, %add3A_183 : i32
        %dma_start3A_185 = arith.constant 0 : i32
        %dma_start3A_186 = tpu.memref_slice %arg6[%add3A_184, %dma_start3A_185] : memref<40x128xi32, #tpu.memory_space<vmem>> -> memref<1x128xi32, #tpu.memory_space<vmem>>
        %dma_start3A_187 = tpu.memref_squeeze %dma_start3A_186 : memref<1x128xi32, #tpu.memory_space<vmem>> -> memref<128xi32, #tpu.memory_space<vmem>>
        %dma_start3A_188 = arith.constant 0 : i32
        %dma_start3A_189 = arith.constant 0 : i32
        %dma_start3A_190 = tpu.memref_slice %arg13[%dma_start3A_188, %dma_start3A_189] : memref<10000x64xf32, #tpu.memory_space<vmem_shared>> -> memref<10000x64xf32, #tpu.memory_space<vmem_shared>>
        tpu.enqueue_indirect_dma source(%dma_start3A_190 : memref<10000x64xf32, #tpu.memory_space<vmem_shared>>) target(%arg9 : memref<128x64xf32, #tpu.memory_space<vmem>>) offsets(%dma_start3A_187 : memref<128xi32, #tpu.memory_space<vmem>>) semaphore(%arg15 : memref<!tpu.dma_semaphore, #tpu.memory_space<semaphore_mem>>)
      } else {
      }
      %dma_wait3A_152 = arith.constant 0 : i32
      %dma_wait3A_153 = arith.constant 0 : i32
      %dma_wait3A_154 = tpu.memref_slice %arg7[%dma_wait3A_152, %dma_wait3A_153] : memref<40x128xi32, #tpu.memory_space<vmem>> -> memref<1x128xi32, #tpu.memory_space<vmem>>
      %dma_wait3A_155 = tpu.memref_squeeze %dma_wait3A_154 : memref<1x128xi32, #tpu.memory_space<vmem>> -> memref<128xi32, #tpu.memory_space<vmem>>
      %dma_wait3A_156 = arith.constant 0 : i32
      %dma_wait3A_157 = arith.constant 0 : i32
      %dma_wait3A_158 = tpu.memref_slice %arg12[%dma_wait3A_156, %dma_wait3A_157] : memref<10016x64xf32, #tpu.memory_space<vmem_shared>> -> memref<10016x64xf32, #tpu.memory_space<vmem_shared>>
      tpu.wait_indirect_dma semaphore(%arg20 : memref<!tpu.dma_semaphore, #tpu.memory_space<semaphore_mem>>) src(%arg10 : memref<128x64xf32, #tpu.memory_space<vmem>>) dst(%dma_wait3A_158 : memref<10016x64xf32, #tpu.memory_space<vmem_shared>>)
      %add3A_159 = arith.constant 1 : i32
      %add3A_160 = arith.addi %scan3A_62, %add3A_159 : i32
      %lt3A_161 = arith.constant 10 : i32
      %lt3A_162 = arith.cmpi slt, %add3A_160, %lt3A_161 : i32
      %convert_element_type3A_163 = arith.extui %lt3A_162 : i1 to i32
      %cond3A_164 = arith.constant 0 : i32
      %cond3A_165 = arith.cmpi ne, %convert_element_type3A_163, %cond3A_164 : i32
      scf.if %cond3A_165 {
        %add3A_181 = arith.constant 4 : i32
        %add3A_182 = arith.addi %mul3A_65, %add3A_181 : i32
        %add3A_183 = arith.constant 2 : i32
        %add3A_184 = arith.addi %add3A_182, %add3A_183 : i32
        %dma_start3A_185 = arith.constant 0 : i32
        %dma_start3A_186 = tpu.memref_slice %arg6[%add3A_184, %dma_start3A_185] : memref<40x128xi32, #tpu.memory_space<vmem>> -> memref<1x128xi32, #tpu.memory_space<vmem>>
        %dma_start3A_187 = tpu.memref_squeeze %dma_start3A_186 : memref<1x128xi32, #tpu.memory_space<vmem>> -> memref<128xi32, #tpu.memory_space<vmem>>
        %dma_start3A_188 = arith.constant 0 : i32
        %dma_start3A_189 = arith.constant 0 : i32
        %dma_start3A_190 = tpu.memref_slice %arg13[%dma_start3A_188, %dma_start3A_189] : memref<10000x64xf32, #tpu.memory_space<vmem_shared>> -> memref<10000x64xf32, #tpu.memory_space<vmem_shared>>
        tpu.enqueue_indirect_dma source(%dma_start3A_190 : memref<10000x64xf32, #tpu.memory_space<vmem_shared>>) target(%arg10 : memref<128x64xf32, #tpu.memory_space<vmem>>) offsets(%dma_start3A_187 : memref<128xi32, #tpu.memory_space<vmem>>) semaphore(%arg16 : memref<!tpu.dma_semaphore, #tpu.memory_space<semaphore_mem>>)
      } else {
      }
      %dma_wait3A_166 = arith.constant 0 : i32
      %dma_wait3A_167 = arith.constant 0 : i32
      %dma_wait3A_168 = tpu.memref_slice %arg7[%dma_wait3A_166, %dma_wait3A_167] : memref<40x128xi32, #tpu.memory_space<vmem>> -> memref<1x128xi32, #tpu.memory_space<vmem>>
      %dma_wait3A_169 = tpu.memref_squeeze %dma_wait3A_168 : memref<1x128xi32, #tpu.memory_space<vmem>> -> memref<128xi32, #tpu.memory_space<vmem>>
      %dma_wait3A_170 = arith.constant 0 : i32
      %dma_wait3A_171 = arith.constant 0 : i32
      %dma_wait3A_172 = tpu.memref_slice %arg12[%dma_wait3A_170, %dma_wait3A_171] : memref<10016x64xf32, #tpu.memory_space<vmem_shared>> -> memref<10016x64xf32, #tpu.memory_space<vmem_shared>>
      tpu.wait_indirect_dma semaphore(%arg21 : memref<!tpu.dma_semaphore, #tpu.memory_space<semaphore_mem>>) src(%arg11 : memref<128x64xf32, #tpu.memory_space<vmem>>) dst(%dma_wait3A_172 : memref<10016x64xf32, #tpu.memory_space<vmem_shared>>)
      %add3A_173 = arith.constant 1 : i32
      %add3A_174 = arith.addi %scan3A_62, %add3A_173 : i32
      %lt3A_175 = arith.constant 10 : i32
      %lt3A_176 = arith.cmpi slt, %add3A_174, %lt3A_175 : i32
      %convert_element_type3A_177 = arith.extui %lt3A_176 : i1 to i32
      %cond3A_178 = arith.constant 0 : i32
      %cond3A_179 = arith.cmpi ne, %convert_element_type3A_177, %cond3A_178 : i32
      scf.if %cond3A_179 {
        %add3A_181 = arith.constant 4 : i32
        %add3A_182 = arith.addi %mul3A_65, %add3A_181 : i32
        %add3A_183 = arith.constant 3 : i32
        %add3A_184 = arith.addi %add3A_182, %add3A_183 : i32
        %dma_start3A_185 = arith.constant 0 : i32
        %dma_start3A_186 = tpu.memref_slice %arg6[%add3A_184, %dma_start3A_185] : memref<40x128xi32, #tpu.memory_space<vmem>> -> memref<1x128xi32, #tpu.memory_space<vmem>>
        %dma_start3A_187 = tpu.memref_squeeze %dma_start3A_186 : memref<1x128xi32, #tpu.memory_space<vmem>> -> memref<128xi32, #tpu.memory_space<vmem>>
        %dma_start3A_188 = arith.constant 0 : i32
        %dma_start3A_189 = arith.constant 0 : i32
        %dma_start3A_190 = tpu.memref_slice %arg13[%dma_start3A_188, %dma_start3A_189] : memref<10000x64xf32, #tpu.memory_space<vmem_shared>> -> memref<10000x64xf32, #tpu.memory_space<vmem_shared>>
        tpu.enqueue_indirect_dma source(%dma_start3A_190 : memref<10000x64xf32, #tpu.memory_space<vmem_shared>>) target(%arg11 : memref<128x64xf32, #tpu.memory_space<vmem>>) offsets(%dma_start3A_187 : memref<128xi32, #tpu.memory_space<vmem>>) semaphore(%arg17 : memref<!tpu.dma_semaphore, #tpu.memory_space<semaphore_mem>>)
      } else {
      }
      %scan3A_180 = arith.constant 0 : i32
      scf.yield %scan3A_180 : i32
    }
    %scan3A_51 = arith.constant 10 : i32
    %barrier3A_52 = arith.constant 0 : index
    tpu.barrier barrier_id(%barrier3A_52)
    %mul3A_53 = arith.constant 624 : i32
    %mul3A_54 = arith.muli %arg1, %mul3A_53 : i32
    %mul3A_55 = arith.constant 624 : i32
    %mul3A_56 = arith.muli %arg1, %mul3A_55 : i32
    "tpu.region"() ({
      %run_scoped3A_62 = tpu.sem_alloc : memref<!tpu.dma_semaphore, #tpu.memory_space<semaphore_mem>>
      %dma_start3A_63 = arith.constant 0 : i32
      %dma_start3A_64 = tpu.memref_slice %arg5[%arg0, %mul3A_56, %dma_start3A_63] : memref<2x10000x64xf32, #tpu.memory_space<hbm>> -> memref<1x624x64xf32, #tpu.memory_space<hbm>>
      %dma_start3A_65 = tpu.memref_squeeze %dma_start3A_64 : memref<1x624x64xf32, #tpu.memory_space<hbm>> -> memref<624x64xf32, #tpu.memory_space<hbm>>
      %dma_start3A_66 = arith.constant 0 : i32
      %dma_start3A_67 = tpu.memref_slice %arg12[%mul3A_54, %dma_start3A_66] : memref<10016x64xf32, #tpu.memory_space<vmem_shared>> -> memref<624x64xf32, #tpu.memory_space<vmem_shared>>
      tpu.enqueue_dma source(%dma_start3A_67 : memref<624x64xf32, #tpu.memory_space<vmem_shared>>) target(%dma_start3A_65 : memref<624x64xf32, #tpu.memory_space<hbm>>) target_semaphore(%run_scoped3A_62 : memref<!tpu.dma_semaphore, #tpu.memory_space<semaphore_mem>>)
      %dma_wait3A = arith.constant 0 : i32
      %dma_wait3A_68 = tpu.memref_slice %arg5[%arg0, %mul3A_56, %dma_wait3A] : memref<2x10000x64xf32, #tpu.memory_space<hbm>> -> memref<1x624x64xf32, #tpu.memory_space<hbm>>
      %dma_wait3A_69 = tpu.memref_squeeze %dma_wait3A_68 : memref<1x624x64xf32, #tpu.memory_space<hbm>> -> memref<624x64xf32, #tpu.memory_space<hbm>>
      %dma_wait3A_70 = arith.constant 0 : i32
      %dma_wait3A_71 = tpu.memref_slice %arg12[%mul3A_54, %dma_wait3A_70] : memref<10016x64xf32, #tpu.memory_space<vmem_shared>> -> memref<624x64xf32, #tpu.memory_space<vmem_shared>>
      tpu.wait_dma2 semaphore(%run_scoped3A_62 : memref<!tpu.dma_semaphore, #tpu.memory_space<semaphore_mem>>) src(%dma_wait3A_71 : memref<624x64xf32, #tpu.memory_space<vmem_shared>>) dst(%dma_wait3A_69 : memref<624x64xf32, #tpu.memory_space<hbm>>)
      tpu.yield
    }) : () -> ()
    %eq3A_57 = arith.constant 15 : i32
    %eq3A_58 = arith.cmpi eq, %arg1, %eq3A_57 : i32
    %convert_element_type3A_59 = arith.extui %eq3A_58 : i1 to i32
    %cond3A_60 = arith.constant 0 : i32
    %cond3A_61 = arith.cmpi ne, %convert_element_type3A_59, %cond3A_60 : i32
    scf.if %cond3A_61 {
      "tpu.region"() ({
        %run_scoped3A_62 = tpu.sem_alloc : memref<!tpu.dma_semaphore, #tpu.memory_space<semaphore_mem>>
        %dma_start3A_63 = arith.constant 9984 : i32
        %dma_start3A_64 = arith.constant 0 : i32
        %dma_start3A_65 = tpu.memref_slice %arg5[%arg0, %dma_start3A_63, %dma_start3A_64] : memref<2x10000x64xf32, #tpu.memory_space<hbm>> -> memref<1x16x64xf32, #tpu.memory_space<hbm>>
        %dma_start3A_66 = tpu.memref_squeeze %dma_start3A_65 : memref<1x16x64xf32, #tpu.memory_space<hbm>> -> memref<16x64xf32, #tpu.memory_space<hbm>>
        %dma_start3A_67 = arith.constant 9984 : i32
        %dma_start3A_68 = arith.constant 0 : i32
        %dma_start3A_69 = tpu.memref_slice %arg12[%dma_start3A_67, %dma_start3A_68] : memref<10016x64xf32, #tpu.memory_space<vmem_shared>> -> memref<16x64xf32, #tpu.memory_space<vmem_shared>>
        tpu.enqueue_dma source(%dma_start3A_69 : memref<16x64xf32, #tpu.memory_space<vmem_shared>>) target(%dma_start3A_66 : memref<16x64xf32, #tpu.memory_space<hbm>>) target_semaphore(%run_scoped3A_62 : memref<!tpu.dma_semaphore, #tpu.memory_space<semaphore_mem>>)
        %dma_wait3A = arith.constant 9984 : i32
        %dma_wait3A_70 = arith.constant 0 : i32
        %dma_wait3A_71 = tpu.memref_slice %arg5[%arg0, %dma_wait3A, %dma_wait3A_70] : memref<2x10000x64xf32, #tpu.memory_space<hbm>> -> memref<1x16x64xf32, #tpu.memory_space<hbm>>
        %dma_wait3A_72 = tpu.memref_squeeze %dma_wait3A_71 : memref<1x16x64xf32, #tpu.memory_space<hbm>> -> memref<16x64xf32, #tpu.memory_space<hbm>>
        %dma_wait3A_73 = arith.constant 9984 : i32
        %dma_wait3A_74 = arith.constant 0 : i32
        %dma_wait3A_75 = tpu.memref_slice %arg12[%dma_wait3A_73, %dma_wait3A_74] : memref<10016x64xf32, #tpu.memory_space<vmem_shared>> -> memref<16x64xf32, #tpu.memory_space<vmem_shared>>
        tpu.wait_dma2 semaphore(%run_scoped3A_62 : memref<!tpu.dma_semaphore, #tpu.memory_space<semaphore_mem>>) src(%dma_wait3A_75 : memref<16x64xf32, #tpu.memory_space<vmem_shared>>) dst(%dma_wait3A_72 : memref<16x64xf32, #tpu.memory_space<hbm>>)
        tpu.yield
      }) : () -> ()
    } else {
    }
    return
  }
}

#map = affine_map<(d0, d1) -> (0, 0)>
#map1 = affine_map<(d0, d1) -> (0, 0, 0)>
module attributes {stable_mosaic.version = 14 : i64} {
  func.func @prop(%arg0: i32, %arg1: i32, %arg2: memref<10000x32xf32, #tpu.memory_space<hbm>>, %arg3: memref<2x1280x128xi32, #tpu.memory_space<hbm>>, %arg4: memref<624x32xf32, #tpu.memory_space<hbm>>, %arg5: memref<2x10000x32xf32, #tpu.memory_space<hbm>>, %arg6: memref<40x128xi32, #tpu.memory_space<vmem>>, %arg7: memref<40x128xi32, #tpu.memory_space<vmem>>, %arg8: memref<128x32xf32, #tpu.memory_space<vmem>>, %arg9: memref<128x32xf32, #tpu.memory_space<vmem>>, %arg10: memref<128x32xf32, #tpu.memory_space<vmem>>, %arg11: memref<128x32xf32, #tpu.memory_space<vmem>>, %arg12: memref<10016x32xf32, #tpu.memory_space<vmem_shared>>, %arg13: memref<10000x32xf32, #tpu.memory_space<vmem_shared>>, %arg14: memref<!tpu.dma_semaphore, #tpu.memory_space<semaphore_mem>>, %arg15: memref<!tpu.dma_semaphore, #tpu.memory_space<semaphore_mem>>, %arg16: memref<!tpu.dma_semaphore, #tpu.memory_space<semaphore_mem>>, %arg17: memref<!tpu.dma_semaphore, #tpu.memory_space<semaphore_mem>>, %arg18: memref<!tpu.dma_semaphore, #tpu.memory_space<semaphore_mem>>, %arg19: memref<!tpu.dma_semaphore, #tpu.memory_space<semaphore_mem>>, %arg20: memref<!tpu.dma_semaphore, #tpu.memory_space<semaphore_mem>>, %arg21: memref<!tpu.dma_semaphore, #tpu.memory_space<semaphore_mem>>) attributes {dimension_semantics = [#tpu.dimension_semantics<core_parallel>, #tpu.dimension_semantics<subcore_parallel>], iteration_bounds = array<i64: 2, 16>, scalar_prefetch = 0 : i64, scratch_operands = 16 : i64, tpu.core_type = #tpu.core_type<sc_vector_subcore>, window_params = [{transform_indices = #map}, {transform_indices = #map1}, {transform_indices = #map}, {transform_indices = #map1}]} {
    %mul3A = arith.constant 2 : i32
    %mul3A_0 = arith.muli %arg1, %mul3A : i32
    %add3A = arith.addi %mul3A_0, %arg0 : i32
    %mul3A_1 = arith.constant 40 : i32
    %mul3A_2 = arith.muli %add3A, %mul3A_1 : i32
    %run_scoped3A = arith.constant 0 : i32
    "tpu.region"() ({
      %run_scoped3A_62 = tpu.sem_alloc : memref<!tpu.dma_semaphore, #tpu.memory_space<semaphore_mem>>
      %dma_start3A_63 = arith.constant 0 : i32
      %dma_start3A_64 = tpu.memref_slice %arg3[%run_scoped3A, %mul3A_2, %dma_start3A_63] : memref<2x1280x128xi32, #tpu.memory_space<hbm>> -> memref<1x40x128xi32, #tpu.memory_space<hbm>>
      %dma_start3A_65 = tpu.memref_squeeze %dma_start3A_64 : memref<1x40x128xi32, #tpu.memory_space<hbm>> -> memref<40x128xi32, #tpu.memory_space<hbm>>
      %dma_start3A_66 = arith.constant 0 : i32
      %dma_start3A_67 = tpu.memref_slice %arg3[%run_scoped3A, %mul3A_2, %dma_start3A_66] : memref<2x1280x128xi32, #tpu.memory_space<hbm>> -> memref<1x40x128xi32, #tpu.memory_space<hbm>>
      %dma_start3A_68 = tpu.memref_squeeze %dma_start3A_67 : memref<1x40x128xi32, #tpu.memory_space<hbm>> -> memref<40x128xi32, #tpu.memory_space<hbm>>
      tpu.enqueue_dma source(%dma_start3A_68 : memref<40x128xi32, #tpu.memory_space<hbm>>) target(%arg6 : memref<40x128xi32, #tpu.memory_space<vmem>>) target_semaphore(%run_scoped3A_62 : memref<!tpu.dma_semaphore, #tpu.memory_space<semaphore_mem>>)
      %dma_wait3A = arith.constant 0 : i32
      %dma_wait3A_69 = tpu.memref_slice %arg3[%run_scoped3A, %mul3A_2, %dma_wait3A] : memref<2x1280x128xi32, #tpu.memory_space<hbm>> -> memref<1x40x128xi32, #tpu.memory_space<hbm>>
      %dma_wait3A_70 = tpu.memref_squeeze %dma_wait3A_69 : memref<1x40x128xi32, #tpu.memory_space<hbm>> -> memref<40x128xi32, #tpu.memory_space<hbm>>
      %dma_wait3A_71 = arith.constant 0 : i32
      %dma_wait3A_72 = tpu.memref_slice %arg3[%run_scoped3A, %mul3A_2, %dma_wait3A_71] : memref<2x1280x128xi32, #tpu.memory_space<hbm>> -> memref<1x40x128xi32, #tpu.memory_space<hbm>>
      %dma_wait3A_73 = tpu.memref_squeeze %dma_wait3A_72 : memref<1x40x128xi32, #tpu.memory_space<hbm>> -> memref<40x128xi32, #tpu.memory_space<hbm>>
      tpu.wait_dma2 semaphore(%run_scoped3A_62 : memref<!tpu.dma_semaphore, #tpu.memory_space<semaphore_mem>>) src(%dma_wait3A_73 : memref<40x128xi32, #tpu.memory_space<hbm>>) dst(%arg6 : memref<40x128xi32, #tpu.memory_space<vmem>>)
      tpu.yield
    }) : () -> ()
    %mul3A_3 = arith.constant 40 : i32
    %mul3A_4 = arith.muli %add3A, %mul3A_3 : i32
    %run_scoped3A_5 = arith.constant 1 : i32
    "tpu.region"() ({
      %run_scoped3A_62 = tpu.sem_alloc : memref<!tpu.dma_semaphore, #tpu.memory_space<semaphore_mem>>
      %dma_start3A_63 = arith.constant 0 : i32
      %dma_start3A_64 = tpu.memref_slice %arg3[%run_scoped3A_5, %mul3A_4, %dma_start3A_63] : memref<2x1280x128xi32, #tpu.memory_space<hbm>> -> memref<1x40x128xi32, #tpu.memory_space<hbm>>
      %dma_start3A_65 = tpu.memref_squeeze %dma_start3A_64 : memref<1x40x128xi32, #tpu.memory_space<hbm>> -> memref<40x128xi32, #tpu.memory_space<hbm>>
      %dma_start3A_66 = arith.constant 0 : i32
      %dma_start3A_67 = tpu.memref_slice %arg3[%run_scoped3A_5, %mul3A_4, %dma_start3A_66] : memref<2x1280x128xi32, #tpu.memory_space<hbm>> -> memref<1x40x128xi32, #tpu.memory_space<hbm>>
      %dma_start3A_68 = tpu.memref_squeeze %dma_start3A_67 : memref<1x40x128xi32, #tpu.memory_space<hbm>> -> memref<40x128xi32, #tpu.memory_space<hbm>>
      tpu.enqueue_dma source(%dma_start3A_68 : memref<40x128xi32, #tpu.memory_space<hbm>>) target(%arg7 : memref<40x128xi32, #tpu.memory_space<vmem>>) target_semaphore(%run_scoped3A_62 : memref<!tpu.dma_semaphore, #tpu.memory_space<semaphore_mem>>)
      %dma_wait3A = arith.constant 0 : i32
      %dma_wait3A_69 = tpu.memref_slice %arg3[%run_scoped3A_5, %mul3A_4, %dma_wait3A] : memref<2x1280x128xi32, #tpu.memory_space<hbm>> -> memref<1x40x128xi32, #tpu.memory_space<hbm>>
      %dma_wait3A_70 = tpu.memref_squeeze %dma_wait3A_69 : memref<1x40x128xi32, #tpu.memory_space<hbm>> -> memref<40x128xi32, #tpu.memory_space<hbm>>
      %dma_wait3A_71 = arith.constant 0 : i32
      %dma_wait3A_72 = tpu.memref_slice %arg3[%run_scoped3A_5, %mul3A_4, %dma_wait3A_71] : memref<2x1280x128xi32, #tpu.memory_space<hbm>> -> memref<1x40x128xi32, #tpu.memory_space<hbm>>
      %dma_wait3A_73 = tpu.memref_squeeze %dma_wait3A_72 : memref<1x40x128xi32, #tpu.memory_space<hbm>> -> memref<40x128xi32, #tpu.memory_space<hbm>>
      tpu.wait_dma2 semaphore(%run_scoped3A_62 : memref<!tpu.dma_semaphore, #tpu.memory_space<semaphore_mem>>) src(%dma_wait3A_73 : memref<40x128xi32, #tpu.memory_space<hbm>>) dst(%arg7 : memref<40x128xi32, #tpu.memory_space<vmem>>)
      tpu.yield
    }) : () -> ()
    %mul3A_6 = arith.constant 624 : i32
    %mul3A_7 = arith.muli %arg1, %mul3A_6 : i32
    %mul3A_8 = arith.constant 624 : i32
    %mul3A_9 = arith.muli %arg1, %mul3A_8 : i32
    "tpu.region"() ({
      %run_scoped3A_62 = tpu.sem_alloc : memref<!tpu.dma_semaphore, #tpu.memory_space<semaphore_mem>>
      %dma_start3A_63 = arith.constant 0 : i32
      %dma_start3A_64 = tpu.memref_slice %arg13[%mul3A_9, %dma_start3A_63] : memref<10000x32xf32, #tpu.memory_space<vmem_shared>> -> memref<624x32xf32, #tpu.memory_space<vmem_shared>>
      %dma_start3A_65 = arith.constant 0 : i32
      %dma_start3A_66 = tpu.memref_slice %arg2[%mul3A_7, %dma_start3A_65] : memref<10000x32xf32, #tpu.memory_space<hbm>> -> memref<624x32xf32, #tpu.memory_space<hbm>>
      tpu.enqueue_dma source(%dma_start3A_66 : memref<624x32xf32, #tpu.memory_space<hbm>>) target(%dma_start3A_64 : memref<624x32xf32, #tpu.memory_space<vmem_shared>>) target_semaphore(%run_scoped3A_62 : memref<!tpu.dma_semaphore, #tpu.memory_space<semaphore_mem>>)
      %dma_wait3A = arith.constant 0 : i32
      %dma_wait3A_67 = tpu.memref_slice %arg13[%mul3A_9, %dma_wait3A] : memref<10000x32xf32, #tpu.memory_space<vmem_shared>> -> memref<624x32xf32, #tpu.memory_space<vmem_shared>>
      %dma_wait3A_68 = arith.constant 0 : i32
      %dma_wait3A_69 = tpu.memref_slice %arg2[%mul3A_7, %dma_wait3A_68] : memref<10000x32xf32, #tpu.memory_space<hbm>> -> memref<624x32xf32, #tpu.memory_space<hbm>>
      tpu.wait_dma2 semaphore(%run_scoped3A_62 : memref<!tpu.dma_semaphore, #tpu.memory_space<semaphore_mem>>) src(%dma_wait3A_69 : memref<624x32xf32, #tpu.memory_space<hbm>>) dst(%dma_wait3A_67 : memref<624x32xf32, #tpu.memory_space<vmem_shared>>)
      tpu.yield
    }) : () -> ()
    %eq3A = arith.constant 15 : i32
    %eq3A_10 = arith.cmpi eq, %arg1, %eq3A : i32
    %convert_element_type3A = arith.extui %eq3A_10 : i1 to i32
    %cond3A = arith.constant 0 : i32
    %cond3A_11 = arith.cmpi ne, %convert_element_type3A, %cond3A : i32
    scf.if %cond3A_11 {
      "tpu.region"() ({
        %run_scoped3A_62 = tpu.sem_alloc : memref<!tpu.dma_semaphore, #tpu.memory_space<semaphore_mem>>
        %dma_start3A_63 = arith.constant 9984 : i32
        %dma_start3A_64 = arith.constant 0 : i32
        %dma_start3A_65 = tpu.memref_slice %arg13[%dma_start3A_63, %dma_start3A_64] : memref<10000x32xf32, #tpu.memory_space<vmem_shared>> -> memref<16x32xf32, #tpu.memory_space<vmem_shared>>
        %dma_start3A_66 = arith.constant 9984 : i32
        %dma_start3A_67 = arith.constant 0 : i32
        %dma_start3A_68 = tpu.memref_slice %arg2[%dma_start3A_66, %dma_start3A_67] : memref<10000x32xf32, #tpu.memory_space<hbm>> -> memref<16x32xf32, #tpu.memory_space<hbm>>
        tpu.enqueue_dma source(%dma_start3A_68 : memref<16x32xf32, #tpu.memory_space<hbm>>) target(%dma_start3A_65 : memref<16x32xf32, #tpu.memory_space<vmem_shared>>) target_semaphore(%run_scoped3A_62 : memref<!tpu.dma_semaphore, #tpu.memory_space<semaphore_mem>>)
        %dma_wait3A = arith.constant 9984 : i32
        %dma_wait3A_69 = arith.constant 0 : i32
        %dma_wait3A_70 = tpu.memref_slice %arg13[%dma_wait3A, %dma_wait3A_69] : memref<10000x32xf32, #tpu.memory_space<vmem_shared>> -> memref<16x32xf32, #tpu.memory_space<vmem_shared>>
        %dma_wait3A_71 = arith.constant 9984 : i32
        %dma_wait3A_72 = arith.constant 0 : i32
        %dma_wait3A_73 = tpu.memref_slice %arg2[%dma_wait3A_71, %dma_wait3A_72] : memref<10000x32xf32, #tpu.memory_space<hbm>> -> memref<16x32xf32, #tpu.memory_space<hbm>>
        tpu.wait_dma2 semaphore(%run_scoped3A_62 : memref<!tpu.dma_semaphore, #tpu.memory_space<semaphore_mem>>) src(%dma_wait3A_73 : memref<16x32xf32, #tpu.memory_space<hbm>>) dst(%dma_wait3A_70 : memref<16x32xf32, #tpu.memory_space<vmem_shared>>)
        tpu.yield
      }) : () -> ()
    } else {
    }
    %mul3A_12 = arith.constant 624 : i32
    %mul3A_13 = arith.muli %arg1, %mul3A_12 : i32
    "tpu.region"() ({
      %run_scoped3A_62 = tpu.sem_alloc : memref<!tpu.dma_semaphore, #tpu.memory_space<semaphore_mem>>
      %dma_start3A_63 = arith.constant 0 : i32
      %dma_start3A_64 = tpu.memref_slice %arg12[%mul3A_13, %dma_start3A_63] : memref<10016x32xf32, #tpu.memory_space<vmem_shared>> -> memref<624x32xf32, #tpu.memory_space<vmem_shared>>
      %dma_start3A_65 = arith.constant 0 : i32
      %dma_start3A_66 = arith.constant 0 : i32
      %dma_start3A_67 = tpu.memref_slice %arg4[%dma_start3A_65, %dma_start3A_66] : memref<624x32xf32, #tpu.memory_space<hbm>> -> memref<624x32xf32, #tpu.memory_space<hbm>>
      tpu.enqueue_dma source(%dma_start3A_67 : memref<624x32xf32, #tpu.memory_space<hbm>>) target(%dma_start3A_64 : memref<624x32xf32, #tpu.memory_space<vmem_shared>>) target_semaphore(%run_scoped3A_62 : memref<!tpu.dma_semaphore, #tpu.memory_space<semaphore_mem>>)
      %dma_wait3A = arith.constant 0 : i32
      %dma_wait3A_68 = tpu.memref_slice %arg12[%mul3A_13, %dma_wait3A] : memref<10016x32xf32, #tpu.memory_space<vmem_shared>> -> memref<624x32xf32, #tpu.memory_space<vmem_shared>>
      %dma_wait3A_69 = arith.constant 0 : i32
      %dma_wait3A_70 = arith.constant 0 : i32
      %dma_wait3A_71 = tpu.memref_slice %arg4[%dma_wait3A_69, %dma_wait3A_70] : memref<624x32xf32, #tpu.memory_space<hbm>> -> memref<624x32xf32, #tpu.memory_space<hbm>>
      tpu.wait_dma2 semaphore(%run_scoped3A_62 : memref<!tpu.dma_semaphore, #tpu.memory_space<semaphore_mem>>) src(%dma_wait3A_71 : memref<624x32xf32, #tpu.memory_space<hbm>>) dst(%dma_wait3A_68 : memref<624x32xf32, #tpu.memory_space<vmem_shared>>)
      tpu.yield
    }) : () -> ()
    %eq3A_14 = arith.constant 15 : i32
    %eq3A_15 = arith.cmpi eq, %arg1, %eq3A_14 : i32
    %convert_element_type3A_16 = arith.extui %eq3A_15 : i1 to i32
    %cond3A_17 = arith.constant 0 : i32
    %cond3A_18 = arith.cmpi ne, %convert_element_type3A_16, %cond3A_17 : i32
    scf.if %cond3A_18 {
      "tpu.region"() ({
        %run_scoped3A_62 = tpu.sem_alloc : memref<!tpu.dma_semaphore, #tpu.memory_space<semaphore_mem>>
        %dma_start3A_63 = arith.constant 9984 : i32
        %dma_start3A_64 = arith.constant 0 : i32
        %dma_start3A_65 = tpu.memref_slice %arg12[%dma_start3A_63, %dma_start3A_64] : memref<10016x32xf32, #tpu.memory_space<vmem_shared>> -> memref<32x32xf32, #tpu.memory_space<vmem_shared>>
        %dma_start3A_66 = arith.constant 0 : i32
        %dma_start3A_67 = arith.constant 0 : i32
        %dma_start3A_68 = tpu.memref_slice %arg4[%dma_start3A_66, %dma_start3A_67] : memref<624x32xf32, #tpu.memory_space<hbm>> -> memref<32x32xf32, #tpu.memory_space<hbm>>
        tpu.enqueue_dma source(%dma_start3A_68 : memref<32x32xf32, #tpu.memory_space<hbm>>) target(%dma_start3A_65 : memref<32x32xf32, #tpu.memory_space<vmem_shared>>) target_semaphore(%run_scoped3A_62 : memref<!tpu.dma_semaphore, #tpu.memory_space<semaphore_mem>>)
        %dma_wait3A = arith.constant 9984 : i32
        %dma_wait3A_69 = arith.constant 0 : i32
        %dma_wait3A_70 = tpu.memref_slice %arg12[%dma_wait3A, %dma_wait3A_69] : memref<10016x32xf32, #tpu.memory_space<vmem_shared>> -> memref<32x32xf32, #tpu.memory_space<vmem_shared>>
        %dma_wait3A_71 = arith.constant 0 : i32
        %dma_wait3A_72 = arith.constant 0 : i32
        %dma_wait3A_73 = tpu.memref_slice %arg4[%dma_wait3A_71, %dma_wait3A_72] : memref<624x32xf32, #tpu.memory_space<hbm>> -> memref<32x32xf32, #tpu.memory_space<hbm>>
        tpu.wait_dma2 semaphore(%run_scoped3A_62 : memref<!tpu.dma_semaphore, #tpu.memory_space<semaphore_mem>>) src(%dma_wait3A_73 : memref<32x32xf32, #tpu.memory_space<hbm>>) dst(%dma_wait3A_70 : memref<32x32xf32, #tpu.memory_space<vmem_shared>>)
        tpu.yield
      }) : () -> ()
    } else {
    }
    %barrier3A = arith.constant 0 : index
    tpu.barrier barrier_id(%barrier3A)
    %dma_start3A = arith.constant 0 : i32
    %dma_start3A_19 = arith.constant 0 : i32
    %dma_start3A_20 = tpu.memref_slice %arg6[%dma_start3A, %dma_start3A_19] : memref<40x128xi32, #tpu.memory_space<vmem>> -> memref<1x128xi32, #tpu.memory_space<vmem>>
    %dma_start3A_21 = tpu.memref_squeeze %dma_start3A_20 : memref<1x128xi32, #tpu.memory_space<vmem>> -> memref<128xi32, #tpu.memory_space<vmem>>
    %dma_start3A_22 = arith.constant 0 : i32
    %dma_start3A_23 = arith.constant 0 : i32
    %dma_start3A_24 = tpu.memref_slice %arg13[%dma_start3A_22, %dma_start3A_23] : memref<10000x32xf32, #tpu.memory_space<vmem_shared>> -> memref<10000x32xf32, #tpu.memory_space<vmem_shared>>
    tpu.enqueue_indirect_dma source(%dma_start3A_24 : memref<10000x32xf32, #tpu.memory_space<vmem_shared>>) target(%arg8 : memref<128x32xf32, #tpu.memory_space<vmem>>) offsets(%dma_start3A_21 : memref<128xi32, #tpu.memory_space<vmem>>) semaphore(%arg14 : memref<!tpu.dma_semaphore, #tpu.memory_space<semaphore_mem>>)
    %dma_start3A_25 = arith.constant 1 : i32
    %dma_start3A_26 = arith.constant 0 : i32
    %dma_start3A_27 = tpu.memref_slice %arg6[%dma_start3A_25, %dma_start3A_26] : memref<40x128xi32, #tpu.memory_space<vmem>> -> memref<1x128xi32, #tpu.memory_space<vmem>>
    %dma_start3A_28 = tpu.memref_squeeze %dma_start3A_27 : memref<1x128xi32, #tpu.memory_space<vmem>> -> memref<128xi32, #tpu.memory_space<vmem>>
    %dma_start3A_29 = arith.constant 0 : i32
    %dma_start3A_30 = arith.constant 0 : i32
    %dma_start3A_31 = tpu.memref_slice %arg13[%dma_start3A_29, %dma_start3A_30] : memref<10000x32xf32, #tpu.memory_space<vmem_shared>> -> memref<10000x32xf32, #tpu.memory_space<vmem_shared>>
    tpu.enqueue_indirect_dma source(%dma_start3A_31 : memref<10000x32xf32, #tpu.memory_space<vmem_shared>>) target(%arg9 : memref<128x32xf32, #tpu.memory_space<vmem>>) offsets(%dma_start3A_28 : memref<128xi32, #tpu.memory_space<vmem>>) semaphore(%arg15 : memref<!tpu.dma_semaphore, #tpu.memory_space<semaphore_mem>>)
    %dma_start3A_32 = arith.constant 2 : i32
    %dma_start3A_33 = arith.constant 0 : i32
    %dma_start3A_34 = tpu.memref_slice %arg6[%dma_start3A_32, %dma_start3A_33] : memref<40x128xi32, #tpu.memory_space<vmem>> -> memref<1x128xi32, #tpu.memory_space<vmem>>
    %dma_start3A_35 = tpu.memref_squeeze %dma_start3A_34 : memref<1x128xi32, #tpu.memory_space<vmem>> -> memref<128xi32, #tpu.memory_space<vmem>>
    %dma_start3A_36 = arith.constant 0 : i32
    %dma_start3A_37 = arith.constant 0 : i32
    %dma_start3A_38 = tpu.memref_slice %arg13[%dma_start3A_36, %dma_start3A_37] : memref<10000x32xf32, #tpu.memory_space<vmem_shared>> -> memref<10000x32xf32, #tpu.memory_space<vmem_shared>>
    tpu.enqueue_indirect_dma source(%dma_start3A_38 : memref<10000x32xf32, #tpu.memory_space<vmem_shared>>) target(%arg10 : memref<128x32xf32, #tpu.memory_space<vmem>>) offsets(%dma_start3A_35 : memref<128xi32, #tpu.memory_space<vmem>>) semaphore(%arg16 : memref<!tpu.dma_semaphore, #tpu.memory_space<semaphore_mem>>)
    %dma_start3A_39 = arith.constant 3 : i32
    %dma_start3A_40 = arith.constant 0 : i32
    %dma_start3A_41 = tpu.memref_slice %arg6[%dma_start3A_39, %dma_start3A_40] : memref<40x128xi32, #tpu.memory_space<vmem>> -> memref<1x128xi32, #tpu.memory_space<vmem>>
    %dma_start3A_42 = tpu.memref_squeeze %dma_start3A_41 : memref<1x128xi32, #tpu.memory_space<vmem>> -> memref<128xi32, #tpu.memory_space<vmem>>
    %dma_start3A_43 = arith.constant 0 : i32
    %dma_start3A_44 = arith.constant 0 : i32
    %dma_start3A_45 = tpu.memref_slice %arg13[%dma_start3A_43, %dma_start3A_44] : memref<10000x32xf32, #tpu.memory_space<vmem_shared>> -> memref<10000x32xf32, #tpu.memory_space<vmem_shared>>
    tpu.enqueue_indirect_dma source(%dma_start3A_45 : memref<10000x32xf32, #tpu.memory_space<vmem_shared>>) target(%arg11 : memref<128x32xf32, #tpu.memory_space<vmem>>) offsets(%dma_start3A_42 : memref<128xi32, #tpu.memory_space<vmem>>) semaphore(%arg17 : memref<!tpu.dma_semaphore, #tpu.memory_space<semaphore_mem>>)
    %scan3A = arith.constant 0 : i32
    %scan3A_46 = arith.constant 0 : i32
    %scan3A_47 = arith.constant 10 : i32
    %scan3A_48 = arith.addi %scan3A_46, %scan3A_47 : i32
    %scan3A_49 = arith.constant 1 : i32
    %scan3A_50 = scf.for %scan3A_62 = %scan3A_46 to %scan3A_48 step %scan3A_49 iter_args(%scan3A_63 = %scan3A) -> (i32)  : i32 {
      %mul3A_64 = arith.constant 4 : i32
      %mul3A_65 = arith.muli %scan3A_62, %mul3A_64 : i32
      %dma_wait3A = arith.constant 0 : i32
      %dma_wait3A_66 = arith.constant 0 : i32
      %dma_wait3A_67 = tpu.memref_slice %arg6[%dma_wait3A, %dma_wait3A_66] : memref<40x128xi32, #tpu.memory_space<vmem>> -> memref<1x128xi32, #tpu.memory_space<vmem>>
      %dma_wait3A_68 = tpu.memref_squeeze %dma_wait3A_67 : memref<1x128xi32, #tpu.memory_space<vmem>> -> memref<128xi32, #tpu.memory_space<vmem>>
      %dma_wait3A_69 = arith.constant 0 : i32
      %dma_wait3A_70 = arith.constant 0 : i32
      %dma_wait3A_71 = tpu.memref_slice %arg13[%dma_wait3A_69, %dma_wait3A_70] : memref<10000x32xf32, #tpu.memory_space<vmem_shared>> -> memref<10000x32xf32, #tpu.memory_space<vmem_shared>>
      tpu.wait_indirect_dma semaphore(%arg14 : memref<!tpu.dma_semaphore, #tpu.memory_space<semaphore_mem>>) src(%dma_wait3A_71 : memref<10000x32xf32, #tpu.memory_space<vmem_shared>>) dst(%arg8 : memref<128x32xf32, #tpu.memory_space<vmem>>)
      %add3A_72 = arith.constant 0 : i32
      %add3A_73 = arith.addi %mul3A_65, %add3A_72 : i32
      %dma_start3A_74 = arith.constant 0 : i32
      %dma_start3A_75 = tpu.memref_slice %arg7[%add3A_73, %dma_start3A_74] : memref<40x128xi32, #tpu.memory_space<vmem>> -> memref<1x128xi32, #tpu.memory_space<vmem>>
      %dma_start3A_76 = tpu.memref_squeeze %dma_start3A_75 : memref<1x128xi32, #tpu.memory_space<vmem>> -> memref<128xi32, #tpu.memory_space<vmem>>
      %dma_start3A_77 = arith.constant 0 : i32
      %dma_start3A_78 = arith.constant 0 : i32
      %dma_start3A_79 = tpu.memref_slice %arg12[%dma_start3A_77, %dma_start3A_78] : memref<10016x32xf32, #tpu.memory_space<vmem_shared>> -> memref<10016x32xf32, #tpu.memory_space<vmem_shared>>
      tpu.enqueue_indirect_dma source(%arg8 : memref<128x32xf32, #tpu.memory_space<vmem>>) target(%dma_start3A_79 : memref<10016x32xf32, #tpu.memory_space<vmem_shared>>) offsets(%dma_start3A_76 : memref<128xi32, #tpu.memory_space<vmem>>) semaphore(%arg18 : memref<!tpu.dma_semaphore, #tpu.memory_space<semaphore_mem>>) {add = true}
      %dma_wait3A_80 = arith.constant 0 : i32
      %dma_wait3A_81 = arith.constant 0 : i32
      %dma_wait3A_82 = tpu.memref_slice %arg6[%dma_wait3A_80, %dma_wait3A_81] : memref<40x128xi32, #tpu.memory_space<vmem>> -> memref<1x128xi32, #tpu.memory_space<vmem>>
      %dma_wait3A_83 = tpu.memref_squeeze %dma_wait3A_82 : memref<1x128xi32, #tpu.memory_space<vmem>> -> memref<128xi32, #tpu.memory_space<vmem>>
      %dma_wait3A_84 = arith.constant 0 : i32
      %dma_wait3A_85 = arith.constant 0 : i32
      %dma_wait3A_86 = tpu.memref_slice %arg13[%dma_wait3A_84, %dma_wait3A_85] : memref<10000x32xf32, #tpu.memory_space<vmem_shared>> -> memref<10000x32xf32, #tpu.memory_space<vmem_shared>>
      tpu.wait_indirect_dma semaphore(%arg15 : memref<!tpu.dma_semaphore, #tpu.memory_space<semaphore_mem>>) src(%dma_wait3A_86 : memref<10000x32xf32, #tpu.memory_space<vmem_shared>>) dst(%arg9 : memref<128x32xf32, #tpu.memory_space<vmem>>)
      %add3A_87 = arith.constant 1 : i32
      %add3A_88 = arith.addi %mul3A_65, %add3A_87 : i32
      %dma_start3A_89 = arith.constant 0 : i32
      %dma_start3A_90 = tpu.memref_slice %arg7[%add3A_88, %dma_start3A_89] : memref<40x128xi32, #tpu.memory_space<vmem>> -> memref<1x128xi32, #tpu.memory_space<vmem>>
      %dma_start3A_91 = tpu.memref_squeeze %dma_start3A_90 : memref<1x128xi32, #tpu.memory_space<vmem>> -> memref<128xi32, #tpu.memory_space<vmem>>
      %dma_start3A_92 = arith.constant 0 : i32
      %dma_start3A_93 = arith.constant 0 : i32
      %dma_start3A_94 = tpu.memref_slice %arg12[%dma_start3A_92, %dma_start3A_93] : memref<10016x32xf32, #tpu.memory_space<vmem_shared>> -> memref<10016x32xf32, #tpu.memory_space<vmem_shared>>
      tpu.enqueue_indirect_dma source(%arg9 : memref<128x32xf32, #tpu.memory_space<vmem>>) target(%dma_start3A_94 : memref<10016x32xf32, #tpu.memory_space<vmem_shared>>) offsets(%dma_start3A_91 : memref<128xi32, #tpu.memory_space<vmem>>) semaphore(%arg19 : memref<!tpu.dma_semaphore, #tpu.memory_space<semaphore_mem>>) {add = true}
      %dma_wait3A_95 = arith.constant 0 : i32
      %dma_wait3A_96 = arith.constant 0 : i32
      %dma_wait3A_97 = tpu.memref_slice %arg6[%dma_wait3A_95, %dma_wait3A_96] : memref<40x128xi32, #tpu.memory_space<vmem>> -> memref<1x128xi32, #tpu.memory_space<vmem>>
      %dma_wait3A_98 = tpu.memref_squeeze %dma_wait3A_97 : memref<1x128xi32, #tpu.memory_space<vmem>> -> memref<128xi32, #tpu.memory_space<vmem>>
      %dma_wait3A_99 = arith.constant 0 : i32
      %dma_wait3A_100 = arith.constant 0 : i32
      %dma_wait3A_101 = tpu.memref_slice %arg13[%dma_wait3A_99, %dma_wait3A_100] : memref<10000x32xf32, #tpu.memory_space<vmem_shared>> -> memref<10000x32xf32, #tpu.memory_space<vmem_shared>>
      tpu.wait_indirect_dma semaphore(%arg16 : memref<!tpu.dma_semaphore, #tpu.memory_space<semaphore_mem>>) src(%dma_wait3A_101 : memref<10000x32xf32, #tpu.memory_space<vmem_shared>>) dst(%arg10 : memref<128x32xf32, #tpu.memory_space<vmem>>)
      %add3A_102 = arith.constant 2 : i32
      %add3A_103 = arith.addi %mul3A_65, %add3A_102 : i32
      %dma_start3A_104 = arith.constant 0 : i32
      %dma_start3A_105 = tpu.memref_slice %arg7[%add3A_103, %dma_start3A_104] : memref<40x128xi32, #tpu.memory_space<vmem>> -> memref<1x128xi32, #tpu.memory_space<vmem>>
      %dma_start3A_106 = tpu.memref_squeeze %dma_start3A_105 : memref<1x128xi32, #tpu.memory_space<vmem>> -> memref<128xi32, #tpu.memory_space<vmem>>
      %dma_start3A_107 = arith.constant 0 : i32
      %dma_start3A_108 = arith.constant 0 : i32
      %dma_start3A_109 = tpu.memref_slice %arg12[%dma_start3A_107, %dma_start3A_108] : memref<10016x32xf32, #tpu.memory_space<vmem_shared>> -> memref<10016x32xf32, #tpu.memory_space<vmem_shared>>
      tpu.enqueue_indirect_dma source(%arg10 : memref<128x32xf32, #tpu.memory_space<vmem>>) target(%dma_start3A_109 : memref<10016x32xf32, #tpu.memory_space<vmem_shared>>) offsets(%dma_start3A_106 : memref<128xi32, #tpu.memory_space<vmem>>) semaphore(%arg20 : memref<!tpu.dma_semaphore, #tpu.memory_space<semaphore_mem>>) {add = true}
      %dma_wait3A_110 = arith.constant 0 : i32
      %dma_wait3A_111 = arith.constant 0 : i32
      %dma_wait3A_112 = tpu.memref_slice %arg6[%dma_wait3A_110, %dma_wait3A_111] : memref<40x128xi32, #tpu.memory_space<vmem>> -> memref<1x128xi32, #tpu.memory_space<vmem>>
      %dma_wait3A_113 = tpu.memref_squeeze %dma_wait3A_112 : memref<1x128xi32, #tpu.memory_space<vmem>> -> memref<128xi32, #tpu.memory_space<vmem>>
      %dma_wait3A_114 = arith.constant 0 : i32
      %dma_wait3A_115 = arith.constant 0 : i32
      %dma_wait3A_116 = tpu.memref_slice %arg13[%dma_wait3A_114, %dma_wait3A_115] : memref<10000x32xf32, #tpu.memory_space<vmem_shared>> -> memref<10000x32xf32, #tpu.memory_space<vmem_shared>>
      tpu.wait_indirect_dma semaphore(%arg17 : memref<!tpu.dma_semaphore, #tpu.memory_space<semaphore_mem>>) src(%dma_wait3A_116 : memref<10000x32xf32, #tpu.memory_space<vmem_shared>>) dst(%arg11 : memref<128x32xf32, #tpu.memory_space<vmem>>)
      %add3A_117 = arith.constant 3 : i32
      %add3A_118 = arith.addi %mul3A_65, %add3A_117 : i32
      %dma_start3A_119 = arith.constant 0 : i32
      %dma_start3A_120 = tpu.memref_slice %arg7[%add3A_118, %dma_start3A_119] : memref<40x128xi32, #tpu.memory_space<vmem>> -> memref<1x128xi32, #tpu.memory_space<vmem>>
      %dma_start3A_121 = tpu.memref_squeeze %dma_start3A_120 : memref<1x128xi32, #tpu.memory_space<vmem>> -> memref<128xi32, #tpu.memory_space<vmem>>
      %dma_start3A_122 = arith.constant 0 : i32
      %dma_start3A_123 = arith.constant 0 : i32
      %dma_start3A_124 = tpu.memref_slice %arg12[%dma_start3A_122, %dma_start3A_123] : memref<10016x32xf32, #tpu.memory_space<vmem_shared>> -> memref<10016x32xf32, #tpu.memory_space<vmem_shared>>
      tpu.enqueue_indirect_dma source(%arg11 : memref<128x32xf32, #tpu.memory_space<vmem>>) target(%dma_start3A_124 : memref<10016x32xf32, #tpu.memory_space<vmem_shared>>) offsets(%dma_start3A_121 : memref<128xi32, #tpu.memory_space<vmem>>) semaphore(%arg21 : memref<!tpu.dma_semaphore, #tpu.memory_space<semaphore_mem>>) {add = true}
      %dma_wait3A_125 = arith.constant 0 : i32
      %dma_wait3A_126 = arith.constant 0 : i32
      %dma_wait3A_127 = tpu.memref_slice %arg7[%dma_wait3A_125, %dma_wait3A_126] : memref<40x128xi32, #tpu.memory_space<vmem>> -> memref<1x128xi32, #tpu.memory_space<vmem>>
      %dma_wait3A_128 = tpu.memref_squeeze %dma_wait3A_127 : memref<1x128xi32, #tpu.memory_space<vmem>> -> memref<128xi32, #tpu.memory_space<vmem>>
      %dma_wait3A_129 = arith.constant 0 : i32
      %dma_wait3A_130 = arith.constant 0 : i32
      %dma_wait3A_131 = tpu.memref_slice %arg12[%dma_wait3A_129, %dma_wait3A_130] : memref<10016x32xf32, #tpu.memory_space<vmem_shared>> -> memref<10016x32xf32, #tpu.memory_space<vmem_shared>>
      tpu.wait_indirect_dma semaphore(%arg18 : memref<!tpu.dma_semaphore, #tpu.memory_space<semaphore_mem>>) src(%arg8 : memref<128x32xf32, #tpu.memory_space<vmem>>) dst(%dma_wait3A_131 : memref<10016x32xf32, #tpu.memory_space<vmem_shared>>)
      %add3A_132 = arith.constant 1 : i32
      %add3A_133 = arith.addi %scan3A_62, %add3A_132 : i32
      %lt3A = arith.constant 10 : i32
      %lt3A_134 = arith.cmpi slt, %add3A_133, %lt3A : i32
      %convert_element_type3A_135 = arith.extui %lt3A_134 : i1 to i32
      %cond3A_136 = arith.constant 0 : i32
      %cond3A_137 = arith.cmpi ne, %convert_element_type3A_135, %cond3A_136 : i32
      scf.if %cond3A_137 {
        %add3A_181 = arith.constant 4 : i32
        %add3A_182 = arith.addi %mul3A_65, %add3A_181 : i32
        %add3A_183 = arith.constant 0 : i32
        %add3A_184 = arith.addi %add3A_182, %add3A_183 : i32
        %dma_start3A_185 = arith.constant 0 : i32
        %dma_start3A_186 = tpu.memref_slice %arg6[%add3A_184, %dma_start3A_185] : memref<40x128xi32, #tpu.memory_space<vmem>> -> memref<1x128xi32, #tpu.memory_space<vmem>>
        %dma_start3A_187 = tpu.memref_squeeze %dma_start3A_186 : memref<1x128xi32, #tpu.memory_space<vmem>> -> memref<128xi32, #tpu.memory_space<vmem>>
        %dma_start3A_188 = arith.constant 0 : i32
        %dma_start3A_189 = arith.constant 0 : i32
        %dma_start3A_190 = tpu.memref_slice %arg13[%dma_start3A_188, %dma_start3A_189] : memref<10000x32xf32, #tpu.memory_space<vmem_shared>> -> memref<10000x32xf32, #tpu.memory_space<vmem_shared>>
        tpu.enqueue_indirect_dma source(%dma_start3A_190 : memref<10000x32xf32, #tpu.memory_space<vmem_shared>>) target(%arg8 : memref<128x32xf32, #tpu.memory_space<vmem>>) offsets(%dma_start3A_187 : memref<128xi32, #tpu.memory_space<vmem>>) semaphore(%arg14 : memref<!tpu.dma_semaphore, #tpu.memory_space<semaphore_mem>>)
      } else {
      }
      %dma_wait3A_138 = arith.constant 0 : i32
      %dma_wait3A_139 = arith.constant 0 : i32
      %dma_wait3A_140 = tpu.memref_slice %arg7[%dma_wait3A_138, %dma_wait3A_139] : memref<40x128xi32, #tpu.memory_space<vmem>> -> memref<1x128xi32, #tpu.memory_space<vmem>>
      %dma_wait3A_141 = tpu.memref_squeeze %dma_wait3A_140 : memref<1x128xi32, #tpu.memory_space<vmem>> -> memref<128xi32, #tpu.memory_space<vmem>>
      %dma_wait3A_142 = arith.constant 0 : i32
      %dma_wait3A_143 = arith.constant 0 : i32
      %dma_wait3A_144 = tpu.memref_slice %arg12[%dma_wait3A_142, %dma_wait3A_143] : memref<10016x32xf32, #tpu.memory_space<vmem_shared>> -> memref<10016x32xf32, #tpu.memory_space<vmem_shared>>
      tpu.wait_indirect_dma semaphore(%arg19 : memref<!tpu.dma_semaphore, #tpu.memory_space<semaphore_mem>>) src(%arg9 : memref<128x32xf32, #tpu.memory_space<vmem>>) dst(%dma_wait3A_144 : memref<10016x32xf32, #tpu.memory_space<vmem_shared>>)
      %add3A_145 = arith.constant 1 : i32
      %add3A_146 = arith.addi %scan3A_62, %add3A_145 : i32
      %lt3A_147 = arith.constant 10 : i32
      %lt3A_148 = arith.cmpi slt, %add3A_146, %lt3A_147 : i32
      %convert_element_type3A_149 = arith.extui %lt3A_148 : i1 to i32
      %cond3A_150 = arith.constant 0 : i32
      %cond3A_151 = arith.cmpi ne, %convert_element_type3A_149, %cond3A_150 : i32
      scf.if %cond3A_151 {
        %add3A_181 = arith.constant 4 : i32
        %add3A_182 = arith.addi %mul3A_65, %add3A_181 : i32
        %add3A_183 = arith.constant 1 : i32
        %add3A_184 = arith.addi %add3A_182, %add3A_183 : i32
        %dma_start3A_185 = arith.constant 0 : i32
        %dma_start3A_186 = tpu.memref_slice %arg6[%add3A_184, %dma_start3A_185] : memref<40x128xi32, #tpu.memory_space<vmem>> -> memref<1x128xi32, #tpu.memory_space<vmem>>
        %dma_start3A_187 = tpu.memref_squeeze %dma_start3A_186 : memref<1x128xi32, #tpu.memory_space<vmem>> -> memref<128xi32, #tpu.memory_space<vmem>>
        %dma_start3A_188 = arith.constant 0 : i32
        %dma_start3A_189 = arith.constant 0 : i32
        %dma_start3A_190 = tpu.memref_slice %arg13[%dma_start3A_188, %dma_start3A_189] : memref<10000x32xf32, #tpu.memory_space<vmem_shared>> -> memref<10000x32xf32, #tpu.memory_space<vmem_shared>>
        tpu.enqueue_indirect_dma source(%dma_start3A_190 : memref<10000x32xf32, #tpu.memory_space<vmem_shared>>) target(%arg9 : memref<128x32xf32, #tpu.memory_space<vmem>>) offsets(%dma_start3A_187 : memref<128xi32, #tpu.memory_space<vmem>>) semaphore(%arg15 : memref<!tpu.dma_semaphore, #tpu.memory_space<semaphore_mem>>)
      } else {
      }
      %dma_wait3A_152 = arith.constant 0 : i32
      %dma_wait3A_153 = arith.constant 0 : i32
      %dma_wait3A_154 = tpu.memref_slice %arg7[%dma_wait3A_152, %dma_wait3A_153] : memref<40x128xi32, #tpu.memory_space<vmem>> -> memref<1x128xi32, #tpu.memory_space<vmem>>
      %dma_wait3A_155 = tpu.memref_squeeze %dma_wait3A_154 : memref<1x128xi32, #tpu.memory_space<vmem>> -> memref<128xi32, #tpu.memory_space<vmem>>
      %dma_wait3A_156 = arith.constant 0 : i32
      %dma_wait3A_157 = arith.constant 0 : i32
      %dma_wait3A_158 = tpu.memref_slice %arg12[%dma_wait3A_156, %dma_wait3A_157] : memref<10016x32xf32, #tpu.memory_space<vmem_shared>> -> memref<10016x32xf32, #tpu.memory_space<vmem_shared>>
      tpu.wait_indirect_dma semaphore(%arg20 : memref<!tpu.dma_semaphore, #tpu.memory_space<semaphore_mem>>) src(%arg10 : memref<128x32xf32, #tpu.memory_space<vmem>>) dst(%dma_wait3A_158 : memref<10016x32xf32, #tpu.memory_space<vmem_shared>>)
      %add3A_159 = arith.constant 1 : i32
      %add3A_160 = arith.addi %scan3A_62, %add3A_159 : i32
      %lt3A_161 = arith.constant 10 : i32
      %lt3A_162 = arith.cmpi slt, %add3A_160, %lt3A_161 : i32
      %convert_element_type3A_163 = arith.extui %lt3A_162 : i1 to i32
      %cond3A_164 = arith.constant 0 : i32
      %cond3A_165 = arith.cmpi ne, %convert_element_type3A_163, %cond3A_164 : i32
      scf.if %cond3A_165 {
        %add3A_181 = arith.constant 4 : i32
        %add3A_182 = arith.addi %mul3A_65, %add3A_181 : i32
        %add3A_183 = arith.constant 2 : i32
        %add3A_184 = arith.addi %add3A_182, %add3A_183 : i32
        %dma_start3A_185 = arith.constant 0 : i32
        %dma_start3A_186 = tpu.memref_slice %arg6[%add3A_184, %dma_start3A_185] : memref<40x128xi32, #tpu.memory_space<vmem>> -> memref<1x128xi32, #tpu.memory_space<vmem>>
        %dma_start3A_187 = tpu.memref_squeeze %dma_start3A_186 : memref<1x128xi32, #tpu.memory_space<vmem>> -> memref<128xi32, #tpu.memory_space<vmem>>
        %dma_start3A_188 = arith.constant 0 : i32
        %dma_start3A_189 = arith.constant 0 : i32
        %dma_start3A_190 = tpu.memref_slice %arg13[%dma_start3A_188, %dma_start3A_189] : memref<10000x32xf32, #tpu.memory_space<vmem_shared>> -> memref<10000x32xf32, #tpu.memory_space<vmem_shared>>
        tpu.enqueue_indirect_dma source(%dma_start3A_190 : memref<10000x32xf32, #tpu.memory_space<vmem_shared>>) target(%arg10 : memref<128x32xf32, #tpu.memory_space<vmem>>) offsets(%dma_start3A_187 : memref<128xi32, #tpu.memory_space<vmem>>) semaphore(%arg16 : memref<!tpu.dma_semaphore, #tpu.memory_space<semaphore_mem>>)
      } else {
      }
      %dma_wait3A_166 = arith.constant 0 : i32
      %dma_wait3A_167 = arith.constant 0 : i32
      %dma_wait3A_168 = tpu.memref_slice %arg7[%dma_wait3A_166, %dma_wait3A_167] : memref<40x128xi32, #tpu.memory_space<vmem>> -> memref<1x128xi32, #tpu.memory_space<vmem>>
      %dma_wait3A_169 = tpu.memref_squeeze %dma_wait3A_168 : memref<1x128xi32, #tpu.memory_space<vmem>> -> memref<128xi32, #tpu.memory_space<vmem>>
      %dma_wait3A_170 = arith.constant 0 : i32
      %dma_wait3A_171 = arith.constant 0 : i32
      %dma_wait3A_172 = tpu.memref_slice %arg12[%dma_wait3A_170, %dma_wait3A_171] : memref<10016x32xf32, #tpu.memory_space<vmem_shared>> -> memref<10016x32xf32, #tpu.memory_space<vmem_shared>>
      tpu.wait_indirect_dma semaphore(%arg21 : memref<!tpu.dma_semaphore, #tpu.memory_space<semaphore_mem>>) src(%arg11 : memref<128x32xf32, #tpu.memory_space<vmem>>) dst(%dma_wait3A_172 : memref<10016x32xf32, #tpu.memory_space<vmem_shared>>)
      %add3A_173 = arith.constant 1 : i32
      %add3A_174 = arith.addi %scan3A_62, %add3A_173 : i32
      %lt3A_175 = arith.constant 10 : i32
      %lt3A_176 = arith.cmpi slt, %add3A_174, %lt3A_175 : i32
      %convert_element_type3A_177 = arith.extui %lt3A_176 : i1 to i32
      %cond3A_178 = arith.constant 0 : i32
      %cond3A_179 = arith.cmpi ne, %convert_element_type3A_177, %cond3A_178 : i32
      scf.if %cond3A_179 {
        %add3A_181 = arith.constant 4 : i32
        %add3A_182 = arith.addi %mul3A_65, %add3A_181 : i32
        %add3A_183 = arith.constant 3 : i32
        %add3A_184 = arith.addi %add3A_182, %add3A_183 : i32
        %dma_start3A_185 = arith.constant 0 : i32
        %dma_start3A_186 = tpu.memref_slice %arg6[%add3A_184, %dma_start3A_185] : memref<40x128xi32, #tpu.memory_space<vmem>> -> memref<1x128xi32, #tpu.memory_space<vmem>>
        %dma_start3A_187 = tpu.memref_squeeze %dma_start3A_186 : memref<1x128xi32, #tpu.memory_space<vmem>> -> memref<128xi32, #tpu.memory_space<vmem>>
        %dma_start3A_188 = arith.constant 0 : i32
        %dma_start3A_189 = arith.constant 0 : i32
        %dma_start3A_190 = tpu.memref_slice %arg13[%dma_start3A_188, %dma_start3A_189] : memref<10000x32xf32, #tpu.memory_space<vmem_shared>> -> memref<10000x32xf32, #tpu.memory_space<vmem_shared>>
        tpu.enqueue_indirect_dma source(%dma_start3A_190 : memref<10000x32xf32, #tpu.memory_space<vmem_shared>>) target(%arg11 : memref<128x32xf32, #tpu.memory_space<vmem>>) offsets(%dma_start3A_187 : memref<128xi32, #tpu.memory_space<vmem>>) semaphore(%arg17 : memref<!tpu.dma_semaphore, #tpu.memory_space<semaphore_mem>>)
      } else {
      }
      %scan3A_180 = arith.constant 0 : i32
      scf.yield %scan3A_180 : i32
    }
    %scan3A_51 = arith.constant 10 : i32
    %barrier3A_52 = arith.constant 0 : index
    tpu.barrier barrier_id(%barrier3A_52)
    %mul3A_53 = arith.constant 624 : i32
    %mul3A_54 = arith.muli %arg1, %mul3A_53 : i32
    %mul3A_55 = arith.constant 624 : i32
    %mul3A_56 = arith.muli %arg1, %mul3A_55 : i32
    "tpu.region"() ({
      %run_scoped3A_62 = tpu.sem_alloc : memref<!tpu.dma_semaphore, #tpu.memory_space<semaphore_mem>>
      %dma_start3A_63 = arith.constant 0 : i32
      %dma_start3A_64 = tpu.memref_slice %arg5[%arg0, %mul3A_56, %dma_start3A_63] : memref<2x10000x32xf32, #tpu.memory_space<hbm>> -> memref<1x624x32xf32, #tpu.memory_space<hbm>>
      %dma_start3A_65 = tpu.memref_squeeze %dma_start3A_64 : memref<1x624x32xf32, #tpu.memory_space<hbm>> -> memref<624x32xf32, #tpu.memory_space<hbm>>
      %dma_start3A_66 = arith.constant 0 : i32
      %dma_start3A_67 = tpu.memref_slice %arg12[%mul3A_54, %dma_start3A_66] : memref<10016x32xf32, #tpu.memory_space<vmem_shared>> -> memref<624x32xf32, #tpu.memory_space<vmem_shared>>
      tpu.enqueue_dma source(%dma_start3A_67 : memref<624x32xf32, #tpu.memory_space<vmem_shared>>) target(%dma_start3A_65 : memref<624x32xf32, #tpu.memory_space<hbm>>) target_semaphore(%run_scoped3A_62 : memref<!tpu.dma_semaphore, #tpu.memory_space<semaphore_mem>>)
      %dma_wait3A = arith.constant 0 : i32
      %dma_wait3A_68 = tpu.memref_slice %arg5[%arg0, %mul3A_56, %dma_wait3A] : memref<2x10000x32xf32, #tpu.memory_space<hbm>> -> memref<1x624x32xf32, #tpu.memory_space<hbm>>
      %dma_wait3A_69 = tpu.memref_squeeze %dma_wait3A_68 : memref<1x624x32xf32, #tpu.memory_space<hbm>> -> memref<624x32xf32, #tpu.memory_space<hbm>>
      %dma_wait3A_70 = arith.constant 0 : i32
      %dma_wait3A_71 = tpu.memref_slice %arg12[%mul3A_54, %dma_wait3A_70] : memref<10016x32xf32, #tpu.memory_space<vmem_shared>> -> memref<624x32xf32, #tpu.memory_space<vmem_shared>>
      tpu.wait_dma2 semaphore(%run_scoped3A_62 : memref<!tpu.dma_semaphore, #tpu.memory_space<semaphore_mem>>) src(%dma_wait3A_71 : memref<624x32xf32, #tpu.memory_space<vmem_shared>>) dst(%dma_wait3A_69 : memref<624x32xf32, #tpu.memory_space<hbm>>)
      tpu.yield
    }) : () -> ()
    %eq3A_57 = arith.constant 15 : i32
    %eq3A_58 = arith.cmpi eq, %arg1, %eq3A_57 : i32
    %convert_element_type3A_59 = arith.extui %eq3A_58 : i1 to i32
    %cond3A_60 = arith.constant 0 : i32
    %cond3A_61 = arith.cmpi ne, %convert_element_type3A_59, %cond3A_60 : i32
    scf.if %cond3A_61 {
      "tpu.region"() ({
        %run_scoped3A_62 = tpu.sem_alloc : memref<!tpu.dma_semaphore, #tpu.memory_space<semaphore_mem>>
        %dma_start3A_63 = arith.constant 9984 : i32
        %dma_start3A_64 = arith.constant 0 : i32
        %dma_start3A_65 = tpu.memref_slice %arg5[%arg0, %dma_start3A_63, %dma_start3A_64] : memref<2x10000x32xf32, #tpu.memory_space<hbm>> -> memref<1x16x32xf32, #tpu.memory_space<hbm>>
        %dma_start3A_66 = tpu.memref_squeeze %dma_start3A_65 : memref<1x16x32xf32, #tpu.memory_space<hbm>> -> memref<16x32xf32, #tpu.memory_space<hbm>>
        %dma_start3A_67 = arith.constant 9984 : i32
        %dma_start3A_68 = arith.constant 0 : i32
        %dma_start3A_69 = tpu.memref_slice %arg12[%dma_start3A_67, %dma_start3A_68] : memref<10016x32xf32, #tpu.memory_space<vmem_shared>> -> memref<16x32xf32, #tpu.memory_space<vmem_shared>>
        tpu.enqueue_dma source(%dma_start3A_69 : memref<16x32xf32, #tpu.memory_space<vmem_shared>>) target(%dma_start3A_66 : memref<16x32xf32, #tpu.memory_space<hbm>>) target_semaphore(%run_scoped3A_62 : memref<!tpu.dma_semaphore, #tpu.memory_space<semaphore_mem>>)
        %dma_wait3A = arith.constant 9984 : i32
        %dma_wait3A_70 = arith.constant 0 : i32
        %dma_wait3A_71 = tpu.memref_slice %arg5[%arg0, %dma_wait3A, %dma_wait3A_70] : memref<2x10000x32xf32, #tpu.memory_space<hbm>> -> memref<1x16x32xf32, #tpu.memory_space<hbm>>
        %dma_wait3A_72 = tpu.memref_squeeze %dma_wait3A_71 : memref<1x16x32xf32, #tpu.memory_space<hbm>> -> memref<16x32xf32, #tpu.memory_space<hbm>>
        %dma_wait3A_73 = arith.constant 9984 : i32
        %dma_wait3A_74 = arith.constant 0 : i32
        %dma_wait3A_75 = tpu.memref_slice %arg12[%dma_wait3A_73, %dma_wait3A_74] : memref<10016x32xf32, #tpu.memory_space<vmem_shared>> -> memref<16x32xf32, #tpu.memory_space<vmem_shared>>
        tpu.wait_dma2 semaphore(%run_scoped3A_62 : memref<!tpu.dma_semaphore, #tpu.memory_space<semaphore_mem>>) src(%dma_wait3A_75 : memref<16x32xf32, #tpu.memory_space<vmem_shared>>) dst(%dma_wait3A_72 : memref<16x32xf32, #tpu.memory_space<hbm>>)
        tpu.yield
      }) : () -> ()
    } else {
    }
    return
  }
}

module attributes {stable_mosaic.version = 14 : i64} {
  func.func @_mm_kernel(%arg0: i32, %arg1: memref<1000x128xf32, #tpu.memory_space<vmem>>, %arg2: memref<128x64xf32, #tpu.memory_space<vmem>>, %arg3: memref<1000x64xf32, #tpu.memory_space<vmem>>) attributes {dimension_semantics = [#tpu.dimension_semantics<arbitrary>], iteration_bounds = array<i64: 10>, scalar_prefetch = 0 : i64, scratch_operands = 0 : i64, tpu.core_type = #tpu.core_type<tc>, window_params = [{transform_indices = @transform_0, window_bounds = array<i64: 1000, 128>}, {pipeline_mode = #tpu.pipeline_mode<synchronous>, transform_indices = @transform_1, window_bounds = array<i64: 128, 64>}, {transform_indices = @transform_2, window_bounds = array<i64: 1000, 64>}]} {
    %get3A = arith.constant 0 : index
    %get3A_0 = arith.constant 0 : index
    %get3A_1 = vector.load %arg1[%get3A, %get3A_0] : memref<1000x128xf32, #tpu.memory_space<vmem>>, vector<1000x128xf32>
    %get3A_2 = arith.constant 0 : index
    %get3A_3 = arith.constant 0 : index
    %get3A_4 = vector.load %arg2[%get3A_2, %get3A_3] : memref<128x64xf32, #tpu.memory_space<vmem>>, vector<128x64xf32>
    %dot_general3A = arith.constant dense<0.000000e+00> : vector<1000x64xf32>
    %dot_general3A_5 = tpu.matmul %get3A_1, %get3A_4, %dot_general3A {dimension_numbers = #tpu.dot_dimension_numbers<[1], [0], [0], [1], [0, 0, 1, 1], [], []>, transpose_lhs_hint = false} : vector<1000x128xf32>, vector<128x64xf32>, vector<1000x64xf32> -> vector<1000x64xf32>
    %swap3A = arith.constant 0 : index
    %swap3A_6 = arith.constant 0 : index
    %swap3A_7 = vector.load %arg3[%swap3A, %swap3A_6] : memref<1000x64xf32, #tpu.memory_space<vmem>>, vector<1000x64xf32>
    tpu.vector_store %arg3[%swap3A, %swap3A_6], %dot_general3A_5 {strides = array<i32>} : memref<1000x64xf32, #tpu.memory_space<vmem>>, vector<1000x64xf32>,
    return
  }
  func.func @transform_0(%arg0: i32) -> (i32, i32) {
    %c0_i32 = arith.constant 0 : i32
    %c0_i32_0 = arith.constant 0 : i32
    return %arg0, %c0_i32 : i32, i32
  }
  func.func @transform_1(%arg0: i32) -> (i32, i32) {
    %c0_i32 = arith.constant 0 : i32
    %c0_i32_0 = arith.constant 0 : i32
    %c0_i32_1 = arith.constant 0 : i32
    return %c0_i32, %c0_i32_0 : i32, i32
  }
  func.func @transform_2(%arg0: i32) -> (i32, i32) {
    %c0_i32 = arith.constant 0 : i32
    %c0_i32_0 = arith.constant 0 : i32
    return %arg0, %c0_i32 : i32, i32
  }
}

module attributes {stable_mosaic.version = 14 : i64} {
  func.func @_relu_mm_kernel(%arg0: i32, %arg1: memref<2x1000x64xf32, #tpu.memory_space<vmem>>, %arg2: memref<64x16xf32, #tpu.memory_space<vmem>>, %arg3: memref<64x16xf32, #tpu.memory_space<vmem>>, %arg4: memref<1000x32xf32, #tpu.memory_space<vmem>>) attributes {dimension_semantics = [#tpu.dimension_semantics<arbitrary>], iteration_bounds = array<i64: 10>, scalar_prefetch = 0 : i64, scratch_operands = 0 : i64, tpu.core_type = #tpu.core_type<tc>, window_params = [{transform_indices = @transform_0, window_bounds = array<i64: 2, 1000, 64>}, {pipeline_mode = #tpu.pipeline_mode<synchronous>, transform_indices = @transform_1, window_bounds = array<i64: 64, 16>}, {pipeline_mode = #tpu.pipeline_mode<synchronous>, transform_indices = @transform_2, window_bounds = array<i64: 64, 16>}, {transform_indices = @transform_3, window_bounds = array<i64: 1000, 32>}]} {
    %get3A = arith.constant 0 : index
    %get3A_0 = arith.constant 0 : index
    %get3A_1 = arith.constant 0 : index
    %get3A_2 = vector.load %arg1[%get3A, %get3A_0, %get3A_1] : memref<2x1000x64xf32, #tpu.memory_space<vmem>>, vector<1x1000x64xf32>
    %get3A_3 = vector.shape_cast %get3A_2 : vector<1x1000x64xf32> to vector<1000x64xf32>
    %get3A_4 = arith.constant 1 : index
    %get3A_5 = arith.constant 0 : index
    %get3A_6 = arith.constant 0 : index
    %get3A_7 = vector.load %arg1[%get3A_4, %get3A_5, %get3A_6] : memref<2x1000x64xf32, #tpu.memory_space<vmem>>, vector<1x1000x64xf32>
    %get3A_8 = vector.shape_cast %get3A_7 : vector<1x1000x64xf32> to vector<1000x64xf32>
    %add3A = arith.addf %get3A_3, %get3A_8 : vector<1000x64xf32>
    %max3A = arith.constant 0.000000e+00 : f32
    %max3A_9 = vector.broadcast %max3A : f32 to vector<1000x64xf32>
    %max3A_10 = arith.maximumf %add3A, %max3A_9 : vector<1000x64xf32>
    %get3A_11 = arith.constant 0 : index
    %get3A_12 = arith.constant 0 : index
    %get3A_13 = vector.load %arg2[%get3A_11, %get3A_12] : memref<64x16xf32, #tpu.memory_space<vmem>>, vector<64x16xf32>
    %get3A_14 = arith.constant 0 : index
    %get3A_15 = arith.constant 0 : index
    %get3A_16 = vector.load %arg3[%get3A_14, %get3A_15] : memref<64x16xf32, #tpu.memory_space<vmem>>, vector<64x16xf32>
    %concatenate3A = tpu.concatenate %get3A_13, %get3A_16 in 1 : vector<64x16xf32>, vector<64x16xf32> -> vector<64x32xf32>
    %dot_general3A = arith.constant dense<0.000000e+00> : vector<1000x32xf32>
    %dot_general3A_17 = tpu.matmul %max3A_10, %concatenate3A, %dot_general3A {dimension_numbers = #tpu.dot_dimension_numbers<[1], [0], [0], [1], [0, 0, 1, 1], [], []>, transpose_lhs_hint = false} : vector<1000x64xf32>, vector<64x32xf32>, vector<1000x32xf32> -> vector<1000x32xf32>
    %swap3A = arith.constant 0 : index
    %swap3A_18 = arith.constant 0 : index
    %swap3A_19 = vector.load %arg4[%swap3A, %swap3A_18] : memref<1000x32xf32, #tpu.memory_space<vmem>>, vector<1000x32xf32>
    tpu.vector_store %arg4[%swap3A, %swap3A_18], %dot_general3A_17 {strides = array<i32>} : memref<1000x32xf32, #tpu.memory_space<vmem>>, vector<1000x32xf32>,
    return
  }
  func.func @transform_0(%arg0: i32) -> (i32, i32, i32) {
    %c0_i32 = arith.constant 0 : i32
    %c0_i32_0 = arith.constant 0 : i32
    %c0_i32_1 = arith.constant 0 : i32
    return %c0_i32, %arg0, %c0_i32_0 : i32, i32, i32
  }
  func.func @transform_1(%arg0: i32) -> (i32, i32) {
    %c0_i32 = arith.constant 0 : i32
    %c0_i32_0 = arith.constant 0 : i32
    %c0_i32_1 = arith.constant 0 : i32
    return %c0_i32, %c0_i32_0 : i32, i32
  }
  func.func @transform_2(%arg0: i32) -> (i32, i32) {
    %c0_i32 = arith.constant 0 : i32
    %c0_i32_0 = arith.constant 0 : i32
    %c0_i32_1 = arith.constant 0 : i32
    return %c0_i32, %c0_i32_0 : i32, i32
  }
  func.func @transform_3(%arg0: i32) -> (i32, i32) {
    %c0_i32 = arith.constant 0 : i32
    %c0_i32_0 = arith.constant 0 : i32
    return %arg0, %c0_i32 : i32, i32
  }
}

module attributes {stable_mosaic.version = 14 : i64} {
  func.func @_reparam_kernel(%arg0: i32, %arg1: memref<2x1000x32xf32, #tpu.memory_space<vmem>>, %arg2: memref<1000x16xf32, #tpu.memory_space<vmem>>, %arg3: memref<1000x16xf32, #tpu.memory_space<vmem>>) attributes {dimension_semantics = [#tpu.dimension_semantics<arbitrary>], iteration_bounds = array<i64: 10>, scalar_prefetch = 0 : i64, scratch_operands = 0 : i64, tpu.core_type = #tpu.core_type<tc>, window_params = [{transform_indices = @transform_0, window_bounds = array<i64: 2, 1000, 32>}, {transform_indices = @transform_1, window_bounds = array<i64: 1000, 16>}, {transform_indices = @transform_2, window_bounds = array<i64: 1000, 16>}]} {
    %get3A = arith.constant 0 : index
    %get3A_0 = arith.constant 0 : index
    %get3A_1 = arith.constant 0 : index
    %get3A_2 = vector.load %arg1[%get3A, %get3A_0, %get3A_1] : memref<2x1000x32xf32, #tpu.memory_space<vmem>>, vector<1x1000x32xf32>
    %get3A_3 = vector.shape_cast %get3A_2 : vector<1x1000x32xf32> to vector<1000x32xf32>
    %get3A_4 = arith.constant 1 : index
    %get3A_5 = arith.constant 0 : index
    %get3A_6 = arith.constant 0 : index
    %get3A_7 = vector.load %arg1[%get3A_4, %get3A_5, %get3A_6] : memref<2x1000x32xf32, #tpu.memory_space<vmem>>, vector<1x1000x32xf32>
    %get3A_8 = vector.shape_cast %get3A_7 : vector<1x1000x32xf32> to vector<1000x32xf32>
    %add3A = arith.addf %get3A_3, %get3A_8 : vector<1000x32xf32>
    %slice3A = vector.extract_strided_slice %add3A {offsets = [0, 0], sizes = [1000, 16], strides = [1, 1]} : vector<1000x32xf32> to vector<1000x16xf32>
    %slice3A_9 = vector.extract_strided_slice %add3A {offsets = [0, 16], sizes = [1000, 16], strides = [1, 1]} : vector<1000x32xf32> to vector<1000x16xf32>
    %get3A_10 = arith.constant 0 : index
    %get3A_11 = arith.constant 0 : index
    %get3A_12 = vector.load %arg2[%get3A_10, %get3A_11] : memref<1000x16xf32, #tpu.memory_space<vmem>>, vector<1000x16xf32>
    %exp3A = math.exp %slice3A_9 : vector<1000x16xf32>
    %mul3A = arith.mulf %get3A_12, %exp3A : vector<1000x16xf32>
    %add3A_13 = arith.addf %slice3A, %mul3A : vector<1000x16xf32>
    %swap3A = arith.constant 0 : index
    %swap3A_14 = arith.constant 0 : index
    %swap3A_15 = vector.load %arg3[%swap3A, %swap3A_14] : memref<1000x16xf32, #tpu.memory_space<vmem>>, vector<1000x16xf32>
    tpu.vector_store %arg3[%swap3A, %swap3A_14], %add3A_13 {strides = array<i32>} : memref<1000x16xf32, #tpu.memory_space<vmem>>, vector<1000x16xf32>,
    return
  }
  func.func @transform_0(%arg0: i32) -> (i32, i32, i32) {
    %c0_i32 = arith.constant 0 : i32
    %c0_i32_0 = arith.constant 0 : i32
    %c0_i32_1 = arith.constant 0 : i32
    return %c0_i32, %arg0, %c0_i32_0 : i32, i32, i32
  }
  func.func @transform_1(%arg0: i32) -> (i32, i32) {
    %c0_i32 = arith.constant 0 : i32
    %c0_i32_0 = arith.constant 0 : i32
    return %arg0, %c0_i32 : i32, i32
  }
  func.func @transform_2(%arg0: i32) -> (i32, i32) {
    %c0_i32 = arith.constant 0 : i32
    %c0_i32_0 = arith.constant 0 : i32
    return %arg0, %c0_i32 : i32, i32
  }
}

module attributes {stable_mosaic.version = 14 : i64} {
  func.func @_decode_kernel(%arg0: i32, %arg1: memref<400x16xf32, #tpu.memory_space<vmem>>, %arg2: memref<10000x16xf32, #tpu.memory_space<vmem>>, %arg3: memref<400x10000xf32, #tpu.memory_space<vmem>>) attributes {dimension_semantics = [#tpu.dimension_semantics<parallel>], iteration_bounds = array<i64: 25>, scalar_prefetch = 0 : i64, scratch_operands = 0 : i64, tpu.core_type = #tpu.core_type<tc>, window_params = [{transform_indices = @transform_0, window_bounds = array<i64: 400, 16>}, {pipeline_mode = #tpu.pipeline_mode<synchronous>, transform_indices = @transform_1, window_bounds = array<i64: 10000, 16>}, {transform_indices = @transform_2, window_bounds = array<i64: 400, 10000>}]} {
    %get3A = arith.constant 0 : index
    %get3A_0 = arith.constant 0 : index
    %get3A_1 = vector.load %arg1[%get3A, %get3A_0] : memref<400x16xf32, #tpu.memory_space<vmem>>, vector<400x16xf32>
    %get3A_2 = arith.constant 0 : index
    %get3A_3 = arith.constant 0 : index
    %get3A_4 = vector.load %arg2[%get3A_2, %get3A_3] : memref<10000x16xf32, #tpu.memory_space<vmem>>, vector<10000x16xf32>
    %dot_general3A = arith.constant dense<0.000000e+00> : vector<400x10000xf32>
    %dot_general3A_5 = tpu.matmul %get3A_1, %get3A_4, %dot_general3A {dimension_numbers = #tpu.dot_dimension_numbers<[1], [1], [0], [0], [0, 0, 1, 0], [], []>, transpose_lhs_hint = false} : vector<400x16xf32>, vector<10000x16xf32>, vector<400x10000xf32> -> vector<400x10000xf32>
    %swap3A = arith.constant 0 : index
    %swap3A_6 = arith.constant 0 : index
    %swap3A_7 = vector.load %arg3[%swap3A, %swap3A_6] : memref<400x10000xf32, #tpu.memory_space<vmem>>, vector<400x10000xf32>
    tpu.vector_store %arg3[%swap3A, %swap3A_6], %dot_general3A_5 {strides = array<i32>} : memref<400x10000xf32, #tpu.memory_space<vmem>>, vector<400x10000xf32>,
    return
  }
  func.func @transform_0(%arg0: i32) -> (i32, i32) {
    %c0_i32 = arith.constant 0 : i32
    %c0_i32_0 = arith.constant 0 : i32
    return %arg0, %c0_i32 : i32, i32
  }
  func.func @transform_1(%arg0: i32) -> (i32, i32) {
    %c0_i32 = arith.constant 0 : i32
    %c0_i32_0 = arith.constant 0 : i32
    %c0_i32_1 = arith.constant 0 : i32
    return %c0_i32, %c0_i32_0 : i32, i32
  }
  func.func @transform_2(%arg0: i32) -> (i32, i32) {
    %c0_i32 = arith.constant 0 : i32
    %c0_i32_0 = arith.constant 0 : i32
    return %arg0, %c0_i32 : i32, i32
  }
}

</mosaic_0001>

<sc_bundles>
// kernel: kernel.11.cloned.1.call-start
scs
__scs_entry_jumppad:
0x0: {  	(pc) =	sbr.rel $0x88, $3  }
0x1: {  	(tag) =	ssettag $0x0;
	lr =	simm.s32 $0x1  }
0x2: {  	[smem:$0x3F9B] =	sst lr;
	_ =	strace $0xD0000000  }
0x3: {  	_ = 	snop  }
0x4: {  	_ = 	snop  }
0x5: {  	_ = 	snop  }
0x6: {  	_ = 	snop  }
0x7: {  	_ = 	snop  }
__scs_overlays_trampoline_lowered:
0x8: {  	[smem:$0x3FAA] =	sst s0  }
0x9: {  	[smem:$0x3FAB] =	sst s1  }
0xa: {  	[smem:$0x3FAC] =	sst s2  }
0xb: {  	[smem:$0x3FAD] =	sst s3  }
0xc: {  	[smem:$0x3FAE] =	sst s4  }
0xd: {  	[smem:$0x3FAF] =	sst s5  }
0xe: {  	[smem:$0x3FB0] =	sst s6  }
0xf: {  	[smem:$0x3FB1] =	sst s7  }
0x10: {  	[smem:$0x3FB2] =	sst s8  }
0x11: {  	[smem:$0x3FB3] =	sst s9;
	s0 =	simm.s32 @!p0 $0x0  }
0x12: {  	s1 =	sld [smem:$0x3F99];
	s0 =	simm.s32 @p0 $0x1  }
0x13: {  	[smem:$0x3FB4] =	sst s0;
	s0 =	simm.s32 @!p1 $0x0  }
0x14: {  	s2 =	sld [smem:$0x3F98];
	s0 =	simm.s32 @p1 $0x1  }
0x15: {  	[smem:$0x3FB5] =	sst s0;
	s0 =	simm.s32 @!p2 $0x0  }
0x16: {  	s3 =	sld [smem:$0x3FDB];
	s0 =	simm.s32 @p2 $0x1  }
0x17: {  	s4 =	simm.s32 $0x1BF5;
	[smem:$0x3FB7] =	sst s0  }
0x18: {  	s0 =	sld [smem:$0x3F9A];
	_ =	swait.ge [sflag:s4], $0x0  }
0x19: {  	s7 =	sld [smem:$0x3F9B]  }
0x1a: {  	s8 =	sadd.s32 $0xFFFFE003, lr  }
0x1b: {  	s9 =	sadd.s32 $0xFFFFFEF7, lr;
	s5 =	simm.s32 $0xFFFFFFFF;
	p2 =	slt.u32 s8, $0xFFFFF086  }
0x1c: {  	p1 =	slt.u32 s9, $0xF7A;
	s5 =	simm.s32 @!p2 $0x0  }
0x1d: {  	s5 =	simm.s32 @p1 $0x1;
	p0 =	seq.s32 s7, s2  }
0x1e: {  	s7 =	smul.u32 @!p0 $0xF7A, s2;
	p2 =	seq.s32 @!p0 s5, $0x0  }
0x1f: {  	s9 =	smul.u32 $0xF7A, s1;
	s8 =	simm.s32 @!p0 $0x1BF5;
	p2 =	por !p2, p0  }
0x20: {  	[sflag:s8] =	ssyncset.s32 @!p0 $0xFFFFF086;
	s6 =	sadd.s32 @!p0 s3, s7;
	s7 =	simm.s32 @!p0 $0x108  }
0x21: {  	s3 =	sadd.s32 s3, s9;
	s6 =	sadd.s32 @!p0 $0x88, s6;
	s7 =	simm.s32 @p2 $0x1082  }
0x22: {  	[simem:s7], [sflag:s8] =	dma.local @!p0 [hbm:s6], $0xF7A  }
0x23: {  	s9 =	sor.u32 $0xD0000000, s2;
	s6 =	simm.s32 $0x108;
	_ =	swait.ge @!p0 [sflag:s8], $0x0  }
0x24: {  	s3 =	sadd.s32 $0x88, s3;
	s6 =	simm.s32 @!p1 $0x1082;
	[sflag:s4] =	ssyncset.s32 $0xFFFFF086  }
0x25: {  	[simem:s6], [sflag:s4] =	dma.local [hbm:s3], $0xF7A  }
0x26: {  	[smem:$0x3F9B] =	sst s1;
	(tag) =	ssettag s2;
	_ =	strace s9  }
0x27: {  	s1 =	sld [smem:$0x3FAB]  }
0x28: {  	s2 =	sld [smem:$0x3FAC]  }
0x29: {  	s4 =	sld [smem:$0x3FAE]  }
0x2a: {  	p0 =	seq.s32 s5, $0x0;
	s5 =	sld [smem:$0x3FAF]  }
0x2b: {  	s6 =	sld [smem:$0x3FB0]  }
0x2c: {  	s7 =	sld [smem:$0x3FB1]  }
0x2d: {  	s3 =	simm.s32 $0x108;
	s8 =	sld [smem:$0x3FB2]  }
0x2e: {  	s3 =	simm.s32 @!p0 $0x1082;
	s9 =	sld [smem:$0x3FB3]  }
0x2f: {  	lr =	sadd.s32 s0, s3;
	s0 =	sld [smem:$0x3FAA]  }
0x30: {  	s3 =	sld [smem:$0x3FAD]  }
0x31: {  	[smem:$0x3FB6] =	sst s10  }
0x32: {  	s10 =	sld [smem:$0x3FB4];
	_ =	sdelay $0x3  }
0x33: {  	p0 =	seq.s32 s10, $0x1;
	s10 =	sld [smem:$0x3FB6];
	_ =	sdelay $0x3  }
0x34: {  	[smem:$0x3FB6] =	sst s10  }
0x35: {  	s10 =	sld [smem:$0x3FB5];
	_ =	sdelay $0x3  }
0x36: {  	p1 =	seq.s32 s10, $0x1;
	s10 =	sld [smem:$0x3FB6];
	_ =	sdelay $0x3  }
0x37: {  	[smem:$0x3FB6] =	sst s10  }
0x38: {  	s10 =	sld [smem:$0x3FB7]  }
0x39: {  	_ = 	snop;
	(pc) =	sbr.ind lr, $3  }
0x3a: {  	_ = 	snop  }
0x3b: {  	_ = 	snop  }
0x3c: {  	p2 =	seq.s32 s10, $0x1;
	s10 =	sld [smem:$0x3FB6]  }
0x3d: {  	_ =	shalt  }
0x3e: {  	_ =	shalt  }
0x3f: {  	_ =	shalt  }
0x40: {  	_ =	shalt  }
0x41: {  	_ =	shalt  }
0x42: {  	_ =	shalt  }
0x43: {  	_ =	shalt  }
0x44: {  	_ =	shalt  }
0x45: {  	_ =	shalt  }
0x46: {  	_ =	shalt  }
0x47: {  	_ =	shalt  }
0x48: {  	_ =	shalt  }
0x49: {  	_ =	shalt  }
0x4a: {  	_ =	shalt  }
0x4b: {  	_ =	shalt  }
0x4c: {  	_ =	shalt  }
0x4d: {  	_ =	shalt  }
0x4e: {  	_ =	shalt  }
0x4f: {  	_ =	shalt  }
0x50: {  	_ =	shalt  }
0x51: {  	_ =	shalt  }
0x52: {  	_ =	shalt  }
0x53: {  	_ =	shalt  }
0x54: {  	_ =	shalt  }
0x55: {  	_ =	shalt  }
0x56: {  	_ =	shalt  }
0x57: {  	_ =	shalt  }
0x58: {  	_ =	shalt  }
0x59: {  	_ =	shalt  }
0x5a: {  	_ =	shalt  }
0x5b: {  	_ =	shalt  }
0x5c: {  	_ =	shalt  }
0x5d: {  	_ =	shalt  }
0x5e: {  	_ =	shalt  }
0x5f: {  	_ =	shalt  }
0x60: {  	_ =	shalt  }
0x61: {  	_ =	shalt  }
0x62: {  	_ =	shalt  }
0x63: {  	_ =	shalt  }
0x64: {  	_ =	shalt  }
0x65: {  	_ =	shalt  }
0x66: {  	_ =	shalt  }
0x67: {  	_ =	shalt  }
0x68: {  	_ =	shalt  }
0x69: {  	_ =	shalt  }
0x6a: {  	_ =	shalt  }
0x6b: {  	_ =	shalt  }
0x6c: {  	_ =	shalt  }
0x6d: {  	_ =	shalt  }
0x6e: {  	_ =	shalt  }
0x6f: {  	_ =	shalt  }
0x70: {  	_ =	shalt  }
0x71: {  	_ =	shalt  }
0x72: {  	_ =	shalt  }
0x73: {  	_ =	shalt  }
0x74: {  	_ =	shalt  }
0x75: {  	_ =	shalt  }
0x76: {  	_ =	shalt  }
0x77: {  	_ =	shalt  }
0x78: {  	_ =	shalt  }
0x79: {  	_ =	shalt  }
0x7a: {  	_ =	shalt  }
0x7b: {  	_ =	shalt  }
0x7c: {  	_ =	shalt  }
0x7d: {  	_ =	shalt  }
0x7e: {  	_ =	shalt  }
0x7f: {  	_ =	shalt  }
0x80: {  	_ =	shalt  }
0x81: {  	_ =	shalt  }
0x82: {  	_ =	shalt  }
0x83: {  	_ =	shalt  }
0x84: {  	_ =	shalt  }
0x85: {  	_ =	shalt  }
0x86: {  	_ =	shalt  }
0x87: {  	_ =	shalt  }
.Lfunc_end0:
.L_simem_size_0:
called_computation.1_lowered:
.L_overlay_start_0:
0x88: {  	s2 =	sld [smem:$0x3FD9]  }
0x89: {  	s3 =	sld [smem:$0x3FFE];
	_ =	sdelay $0x1  }
0x8a: {  	s1 =	srdreg.scid  }
0x8b: {  	s0 =	sand.u32 $0x1, s1  }
0x8c: {  	s17 =	sshll.u32 s0, $0xA;
	s2 =	sadd.s32 s3, s2  }
0x8d: {  	s2 =	sadd.s32 s2, s17  }
0x8e: {  	[smem:$0x3FC2] =	sst s2  }
0x8f: {  	_ = 	snop  }
0x90: {  	s2 =	sld [smem:$0x3FD0];
	(tm) =	ssettm $0x1  }
0x91: {  	s18 =	sld [smem:$0x3FFB];
	_ =	sdelay $0x3  }
0x92: {  	_ =	strace s18  }
0x93: {  	s3 =	sld [smem:$0x3FFC];
	_ =	sdelay $0x3  }
0x94: {  	_ =	strace s3  }
0x95: {  	s3 =	sld [smem:$0x3FFD];
	_ =	sdelay $0x3  }
0x96: {  	_ =	strace s3  }
0x97: {  	_ =	strace $0x8FFFFFFF  }
0x98: {  	s19 =	sld [smem:$0x3FDB];
	_ =	sdelay $0x1  }
0x99: {  	s4 =	simm.s32 $_scs_section_size  }
0x9a: {  	s5 =	simm.s32 $_size__tile_overlayer_lowered;
	s6 =	simm.s32 $_tile_overlayer_lowered  }
0x9b: {  	s22 =	simm.s32 $0x1BFF;
	s21 =	sshll.u32 s6, $0x1;
	s3 =	sadd.s32 s4, s19  }
0x9c: {  	s7 =	simm.s32 $0x0;
	s20 =	sshll.u32 s5, $0x1;
	s5 =	sadd.s32 s21, s3  }
0x9d: {  	[timem:s7], [sflag:s22] =	dma.local [hbm:s5], s20  }
0x9e: {  	_ =	swait.ge [sflag:s22], s20  }
0x9f: {  	s4 =	ssub.s32 $0x0, s20;
	[sflag:s22] =	ssyncset.done $0x0  }
0xa0: {  	[sflag:s22] =	ssyncadd.s32 s4;
	_ =	sdelay $0x1  }
0xa1: {  	s23 =	simm.s32 $0x1B8B  }
0xa2: {  	_ =	swait.ge [sflag:s23], $0x1  }
0xa3: {  	[sflag:s23] =	ssyncset.done $0x0  }
0xa4: {  	s25 =	simm.s32 $0x1B8E;
	s24 =	sld [smem:$0x3FFE];
	[sflag:s23] =	ssyncadd.s32 $0xFFFFFFFF  }
0xa5: {  	s26 =	simm.s32 $execute0_lowered;
	[smem:$0x3FD2] =	sst s25  }
0xa6: {  	s5 =	sshll.u32 s26, $0x1;
	_ =	strace $0x80000049;
	[dreg:$0x1] =	wrdreg $0xFFFFFFFF  }
0xa7: {  	s28 =	simm.s32 $_size_execute0_lowered;
	s3 =	sadd.s32 s3, s5;
	[dreg:$0x0] =	wrdreg $0x0  }
0xa8: {  	s5 =	sshll.u32 s28, $0x1;
	[dreg:$0x2] =	wrdreg s3  }
0xa9: {  	[dreg:$0x3] =	wrdreg s5  }
0xaa: {  	[dreg:$0x4] =	wrdreg $0xC0  }
0xab: {  	_ =	task [dreg:s7], $0x5FFFF  }
0xac: {  	[dreg:$0x1] =	wrdreg $0xFFFFFFFF  }
0xad: {  	[dreg:$0x0] =	wrdreg $0x60  }
0xae: {  	[dreg:$0x2] =	wrdreg s24  }
0xaf: {  	[dreg:$0x3] =	wrdreg s2  }
0xb0: {  	[dreg:$0x4] =	wrdreg $0xB6400  }
0xb1: {  	[dreg:$0x5] =	wrdreg $0x68000  }
0xb2: {  	[dreg:$0x6] =	wrdreg $0x9  }
0xb3: {  	_ =	task.clear_ibuf [dreg:s7], $0x7FFFF;
	_ =	strace $0x90000049  }
0xb4: {  	s29 =	simm.s32 $0x9;
	_ =	strace $0x8000004B  }
0xb5: {  	_ =	swait.ge [sflag:s29], $0x1  }
0xb6: {  	[sflag:s29] =	ssyncadd.s32 $0xFFFFFFFF  }
0xb7: {  	_ =	strace $0x9000004B  }
0xb8: {  	_ =	sfence  }
0xb9: {  	s30 =	sld [smem:$0x0];
	_ =	sdelay $0x2  }
0xba: {  	s31 =	sshll.u32 s1, $0xD;
	s1 =	sshrl.u32 s1, $0x2  }
0xbb: {  	s3 =	sand.u32 $0x4000, s31;
	s1 =	sadd.s32 s1, s30  }
0xbc: {  	s0 =	sor.u32 s3, s0;
	s1 =	sshll.u32 s1, $0x11  }
0xbd: {  	s0 =	sor.u32 s1, s0  }
0xbe: {  	s0 =	sadd.s32 $0x8F2B, s0  }
0xbf: {  	[sflag:s0] =	ssyncadd.remote.s32 $0x1  }
0xc0: {  	_ =	sfence.sel $0xFFFF  }
0xc1: {  	[dreg:$0x0] =	wrdreg $0xFFFFFFFF;
	(pc) =	sbr.abs _section_cstart, $3  }
0xc2: {  	[dreg:$0x1] =	wrdreg $0xFFFFFFFF  }
0xc3: {  	_ =	task.clear_ibuf [dreg:s7], $0x2FFFF;
	_ =	strace $0x9FFFFFFF  }
0xc4: {  	(tm) =	ssettm $0x7FFFFFFF  }
0xc5: {  	_ =	shalt  }
tec
execute0_lowered:
.L_overlay_start_1:
0x0: {  	(tag) =	ssettag $0x1  }
0x1: {  	s0 =	rddreg [dreg:$0x0]  }
0x2: {  	s1 =	rddreg [dreg:$0x1]  }
0x3: {  	s2 =	rddreg [dreg:$0x2]  }
0x4: {  	s3 =	rddreg [dreg:$0x3]  }
0x5: {  	s16 =	stileid.u32;
	s4 =	srdreg.scid  }
0x6: {  	s14 =	simm.s32 $0x9;
	s22 =	simm.s32 $0x80;
	s23 =	simm.s32 $0x2800  }
0x7: {  	s29 =	simm.s32 $0x5800;
	s30 =	simm.s32 $0x1;
	s31 =	simm.s32 $0x2  }
0x8: {  	s28 =	simm.s32 $0x7;
	s6 =	sand.u32 $0x1, s4;
	s5 =	sshll.u32 s16, $0x1  }
0x9: {  	s4 =	simm.s32 $0x0;
	s7 =	smul.u32 $0x4E00, s16;
	p0 =	sne.s32 s16, $0xF  }
0xa: {  	s26 =	sshll.u32 s16, $0x6;
	s5 =	sor.u32 s6, s5;
	[smem:$0x7FF] =	sst s4  }
0xb: {  	s9 =	ssub.s32 $0x2, s6;
	s6 =	smul.u32 $0x4E200, s6;
	s16 =	sor.u32 $0x1C09, s26  }
0xc: {  	s26 =	simm.s32 $0x4800;
	s5 =	smul.u32 $0x1400, s5;
	_ =	strace $0x8000004A  }
0xd: {  	s8 =	sshrl.u32 s7, $0x3;
	s11 =	sshrl.u32 s9, $0x1;
	s15 =	sadd.s32 s7, s2  }
0xe: {  	s8 =	sadd.s32 s8, s0;
	s9 =	ssub.s32 s9, s11;
	s25 =	sadd.s32 s7, s6  }
0xf: {  	s6 =	sshrl.u32 s6, $0x3;
	s17 =	sshrl.u32 s15, $0x3;
	s15 =	simm.s32 $0x5  }
0x10: {  	s5 =	sshrl.u32 s5, $0x3;
	s8 =	sadd.s32 $0xB000, s8;
	s6 =	sadd.s32 s1, s6  }
0x11: {  	s13 =	smax.u32 s9, $0x1;
	s10 =	sadd.s32 s5, s0;
	s5 =	sadd.s32 $0x14E00, s0  }
0x12: {  	[dreg:$0x7] =	wrdreg s8;
	s8 =	sadd.s32 $0x4E000, s2;
	s0 =	sadd.s32 $0x14C00, s0  }
0x13: {  	s12 =	sadd.s32 $0x9C00, s6;
	s6 =	simm.s32 $0x8;
	s24 =	sadd.s32 $0x1000, s10  }
0x14: {  	s10 =	sadd.s32 $0x6000, s10;
	[dreg:$0x8] =	wrdreg s0;
	s0 =	sshrl.u32 s25, $0x3  }
0x15: {  	s19 =	sshrl.u32 @!p0 s8, $0x3;
	s25 =	simm.s32 $0x6;
	[dreg:$0x5] =	wrdreg s24  }
0x16: {  	[dreg:$0x6] =	wrdreg s10;
	s10 =	sadd.s32 s7, s3;
	s7 =	sadd.s32 $0x4E000, s3  }
0x17: {  	s0 =	sadd.s32 s1, s0;
	s24 =	simm.s32 $0x3800;
	s1 =	simm.s32 $0x4  }
0x18: {  	[dreg:$0x9] =	wrdreg s0;
	s18 =	sshrl.u32 @p0 s10, $0x3;
	s20 =	sshrl.u32 @!p0 s10, $0x3  }
0x19: {  	s21 =	sshrl.u32 @!p0 s7, $0x3;
	s0 =	simm.s32 $0x3;
	s7 =	simm.s32 $0x0  }
.LBB2_1:
0x1a: {  	s8 =	rddreg [dreg:$0x5]  }
0x1b: {  	[tilespmem:s4], [sflag:$0x9] =	stream.linear.gather [hbm4b:s8+s4], $0x1400, $0x38;
	[tilespmem:$0x10460] =	vst v63  }
0x1c: {  	_ =	swait.ge [sflag:s14], $0x1400  }
0x1d: {  	[sflag:s14] =	ssyncset.done $0x0  }
0x1e: {  	s9 =	simm.s32 $0x1400;
	s11 =	rddreg [dreg:$0x6];
	[sflag:s14] =	ssyncadd.s32 $0xFFFFEC00  }
0x1f: {  	[tilespmem:s9], [sflag:$0x9] =	stream.linear.gather [hbm4b:s11+s4], $0x1400, $0x38;
	[tilespmem:$0x10460] =	vst v63  }
0x20: {  	_ =	swait.ge [sflag:s14], $0x1400  }
0x21: {  	[sflag:s14] =	ssyncset.done $0x0  }
0x22: {  	s9 =	rddreg [dreg:$0x7];
	[sflag:s14] =	ssyncadd.s32 $0xFFFFEC00  }
0x23: {  	[spmem:s17], [sflag:s16] =	dma.local [hbm:s9], $0x9C0  }
0x24: {  	_ =	swait.ge [sflag:s14], $0x9C0  }
0x25: {  	[sflag:s14] =	ssyncset.done $0x0  }
0x26: {  	s8 =	simm.s32 @p0 $0x9;
	[sflag:s14] =	ssyncadd.s32 $0xFFFFF640  }
0x27: {  	[spmem:s18], [sflag:s16] =	dma.local @p0 [hbm:s5], $0x9C0  }
0x28: {  	_ =	swait.ge @p0 [sflag:s8], $0x9C0  }
0x29: {  	[sflag:s8] =	ssyncset.done @p0 $0x0  }
0x2a: {  	[sflag:s8] =	ssyncadd.s32 @p0 $0xFFFFF640;
	s8 =	rddreg [dreg:$0x8]  }
0x2b: {  	[spmem:s19], [sflag:s16] =	dma.local @!p0 [hbm:s8], $0x40  }
0x2c: {  	s8 =	simm.s32 @!p0 $0x9  }
0x2d: {  	_ =	swait.ge @!p0 [sflag:s8], $0x40  }
0x2e: {  	[sflag:s8] =	ssyncset.done @!p0 $0x0  }
0x2f: {  	[sflag:s8] =	ssyncadd.s32 @!p0 $0xFFFFFFC0  }
0x30: {  	[spmem:s20], [sflag:s16] =	dma.local @!p0 [hbm:s5], $0x9C0  }
0x31: {  	_ =	swait.ge @!p0 [sflag:s8], $0x9C0  }
0x32: {  	[sflag:s8] =	ssyncset.done @!p0 $0x0  }
0x33: {  	[sflag:s8] =	ssyncadd.s32 @!p0 $0xFFFFF640  }
0x34: {  	[spmem:s21], [sflag:s16] =	dma.local @!p0 [hbm:s5], $0x80  }
0x35: {  	_ =	swait.ge @!p0 [sflag:s8], $0x80  }
0x36: {  	[sflag:s8] =	ssyncset.done @!p0 $0x0  }
0x37: {  	[sflag:s8] =	ssyncadd.s32 @!p0 $0xFFFFFF80  }
0x38: {  	[bflag:$0x0] =	sbarrier.arrive $0xFFFF  }
0x39: {  	[tilespmem:s23], [sflag:$0x1] =	stream.indirect.gather [spmem:s2], $0x20, s4, s22, $0xb8;
	[tilespmem:$0x10460] =	vst v63  }
0x3a: {  	_ = 	snop  }
0x3b: {  	[tilespmem:s24], [sflag:$0x2] =	stream.indirect.gather [spmem:s2], $0x20, s22, s22, $0xb8;
	[tilespmem:$0x10460] =	vst v63  }
0x3c: {  	s11 =	simm.s32 $0x100  }
0x3d: {  	[tilespmem:s26], [sflag:$0x3] =	stream.indirect.gather [spmem:s2], $0x20, s11, s22, $0xb8;
	[tilespmem:$0x10460] =	vst v63  }
0x3e: {  	s9 =	simm.s32 $0x180  }
0x3f: {  	[tilespmem:s29], [sflag:$0x4] =	stream.indirect.gather [spmem:s2], $0x20, s9, s22, $0xb8;
	[tilespmem:$0x10460] =	vst v63  }
0x40: {  	_ =	swait.ge [sflag:s30], $0x1000  }
0x41: {  	[sflag:s30] =	ssyncset.done $0x0  }
0x42: {  	s11 =	simm.s32 $0x1400;
	[sflag:s30] =	ssyncadd.s32 $0xFFFFF000  }
0x43: {  	[spmem:s3] =	stream.indirect.scatter.add.f32 [tilespmem:s23], [sflag:$0x5], $0x20, s11, s22, $0xb8;
	[tilespmem:$0x10460] =	vst v63  }
0x44: {  	_ =	swait.ge [sflag:s31], $0x1000  }
0x45: {  	[sflag:s31] =	ssyncset.done $0x0  }
0x46: {  	s9 =	simm.s32 $0x1480;
	[sflag:s31] =	ssyncadd.s32 $0xFFFFF000  }
0x47: {  	[spmem:s3] =	stream.indirect.scatter.add.f32 [tilespmem:s24], [sflag:$0x6], $0x20, s9, s22, $0xb8;
	[tilespmem:$0x10460] =	vst v63  }
0x48: {  	_ =	swait.ge [sflag:s0], $0x1000  }
0x49: {  	[sflag:s0] =	ssyncset.done $0x0  }
0x4a: {  	s11 =	simm.s32 $0x1500;
	[sflag:s0] =	ssyncadd.s32 $0xFFFFF000  }
0x4b: {  	[spmem:s3] =	stream.indirect.scatter.add.f32 [tilespmem:s26], [sflag:$0x7], $0x20, s11, s22, $0xb8;
	[tilespmem:$0x10460] =	vst v63  }
0x4c: {  	_ =	swait.ge [sflag:s1], $0x1000  }
0x4d: {  	[sflag:s1] =	ssyncset.done $0x0  }
0x4e: {  	s9 =	simm.s32 $0x1580;
	[sflag:s1] =	ssyncadd.s32 $0xFFFFF000  }
0x4f: {  	[spmem:s3] =	stream.indirect.scatter.add.f32 [tilespmem:s29], [sflag:$0x8], $0x20, s9, s22, $0xb8;
	[tilespmem:$0x10460] =	vst v63  }
0x50: {  	_ =	swait.ge [sflag:s15], $0x1000  }
0x51: {  	[sflag:s15] =	ssyncset.done $0x0  }
0x52: {  	s11 =	simm.s32 $0x200;
	[sflag:s15] =	ssyncadd.s32 $0xFFFFF000  }
0x53: {  	[tilespmem:s23], [sflag:$0x1] =	stream.indirect.gather [spmem:s2], $0x20, s11, s22, $0xb8;
	[tilespmem:$0x10460] =	vst v63  }
0x54: {  	_ =	swait.ge [sflag:s25], $0x1000  }
0x55: {  	[sflag:s25] =	ssyncset.done $0x0  }
0x56: {  	s9 =	simm.s32 $0x280;
	[sflag:s25] =	ssyncadd.s32 $0xFFFFF000  }
0x57: {  	[tilespmem:s24], [sflag:$0x2] =	stream.indirect.gather [spmem:s2], $0x20, s9, s22, $0xb8;
	[tilespmem:$0x10460] =	vst v63  }
0x58: {  	_ =	swait.ge [sflag:s28], $0x1000  }
0x59: {  	[sflag:s28] =	ssyncset.done $0x0  }
0x5a: {  	s11 =	simm.s32 $0x300;
	[sflag:s28] =	ssyncadd.s32 $0xFFFFF000  }
0x5b: {  	[tilespmem:s26], [sflag:$0x3] =	stream.indirect.gather [spmem:s2], $0x20, s11, s22, $0xb8;
	[tilespmem:$0x10460] =	vst v63  }
0x5c: {  	_ =	swait.ge [sflag:s6], $0x1000  }
0x5d: {  	[sflag:s6] =	ssyncset.done $0x0  }
0x5e: {  	s8 =	simm.s32 $0x800;
	s9 =	simm.s32 $0x380;
	[sflag:s6] =	ssyncadd.s32 $0xFFFFF000  }
.LBB2_2:
0x5f: {  	[tilespmem:s29], [sflag:$0x4] =	stream.indirect.gather [spmem:s2], $0x20, s9, s22, $0xb8;
	[tilespmem:$0x10460] =	vst v63  }
0x60: {  	s9 =	smov.u32 s8  }
0x61: {  	p1 =	sne.s32 s8, $0x4000;
	s8 =	sadd.s32 $0x800, s8;
	_ =	swait.ge [sflag:s30], $0x1000  }
0x62: {  	s9 =	sshra.s32 s9, $0x2;
	[sflag:s30] =	ssyncset.done $0x0  }
0x63: {  	s11 =	sadd.s32 $0x1400, s9;
	[sflag:s30] =	ssyncadd.s32 $0xFFFFF000  }
0x64: {  	[spmem:s3] =	stream.indirect.scatter.add.f32 [tilespmem:s23], [sflag:$0x5], $0x20, s11, s22, $0xb8;
	[tilespmem:$0x10460] =	vst v63  }
0x65: {  	_ =	swait.ge [sflag:s31], $0x1000  }
0x66: {  	[sflag:s31] =	ssyncset.done $0x0  }
0x67: {  	s11 =	sadd.s32 $0x1480, s9;
	[sflag:s31] =	ssyncadd.s32 $0xFFFFF000  }
0x68: {  	[spmem:s3] =	stream.indirect.scatter.add.f32 [tilespmem:s24], [sflag:$0x6], $0x20, s11, s22, $0xb8;
	[tilespmem:$0x10460] =	vst v63  }
0x69: {  	_ =	swait.ge [sflag:s0], $0x1000  }
0x6a: {  	[sflag:s0] =	ssyncset.done $0x0  }
0x6b: {  	s11 =	sadd.s32 $0x1500, s9;
	[sflag:s0] =	ssyncadd.s32 $0xFFFFF000  }
0x6c: {  	[spmem:s3] =	stream.indirect.scatter.add.f32 [tilespmem:s26], [sflag:$0x7], $0x20, s11, s22, $0xb8;
	[tilespmem:$0x10460] =	vst v63  }
0x6d: {  	_ =	swait.ge [sflag:s1], $0x1000  }
0x6e: {  	[sflag:s1] =	ssyncset.done $0x0  }
0x6f: {  	s11 =	sadd.s32 $0x1580, s9;
	[sflag:s1] =	ssyncadd.s32 $0xFFFFF000  }
0x70: {  	[spmem:s3] =	stream.indirect.scatter.add.f32 [tilespmem:s29], [sflag:$0x8], $0x20, s11, s22, $0xb8;
	[tilespmem:$0x10460] =	vst v63  }
0x71: {  	_ =	swait.ge [sflag:s15], $0x1000  }
0x72: {  	[sflag:s15] =	ssyncset.done $0x0  }
0x73: {  	s11 =	sadd.s32 $0x200, s9;
	[sflag:s15] =	ssyncadd.s32 $0xFFFFF000  }
0x74: {  	[tilespmem:s23], [sflag:$0x1] =	stream.indirect.gather [spmem:s2], $0x20, s11, s22, $0xb8;
	[tilespmem:$0x10460] =	vst v63  }
0x75: {  	_ =	swait.ge [sflag:s25], $0x1000  }
0x76: {  	[sflag:s25] =	ssyncset.done $0x0  }
0x77: {  	s11 =	sadd.s32 $0x280, s9;
	[sflag:s25] =	ssyncadd.s32 $0xFFFFF000  }
0x78: {  	[tilespmem:s24], [sflag:$0x2] =	stream.indirect.gather [spmem:s2], $0x20, s11, s22, $0xb8;
	[tilespmem:$0x10460] =	vst v63  }
0x79: {  	_ =	swait.ge [sflag:s28], $0x1000  }
0x7a: {  	[sflag:s28] =	ssyncset.done $0x0  }
.Ltmp0:
0x7b: {  	s11 =	sadd.s32 $0x300, s9;
	[sflag:s28] =	ssyncadd.s32 $0xFFFFF000;
	(pc) =	sbr.rel @p1 .LBB2_2-.Ltmp0, $4  }
0x7c: {  	[tilespmem:s26], [sflag:$0x3] =	stream.indirect.gather [spmem:s2], $0x20, s11, s22, $0xb8;
	[tilespmem:$0x10460] =	vst v63  }
0x7d: {  	_ =	swait.ge [sflag:s6], $0x1000  }
0x7e: {  	[sflag:s6] =	ssyncset.done $0x0  }
0x7f: {  	s9 =	sadd.s32 $0x380, s9;
	[sflag:s6] =	ssyncadd.s32 $0xFFFFF000  }
0x80: {  	[tilespmem:s29], [sflag:$0x4] =	stream.indirect.gather [spmem:s2], $0x20, s9, s22, $0xb8;
	[tilespmem:$0x10460] =	vst v63  }
0x81: {  	_ =	swait.ge [sflag:s30], $0x1000  }
0x82: {  	[sflag:s30] =	ssyncset.done $0x0  }
0x83: {  	s8 =	simm.s32 $0x2600;
	[sflag:s30] =	ssyncadd.s32 $0xFFFFF000  }
0x84: {  	[spmem:s3] =	stream.indirect.scatter.add.f32 [tilespmem:s23], [sflag:$0x5], $0x20, s8, s22, $0xb8;
	[tilespmem:$0x10460] =	vst v63  }
0x85: {  	_ =	swait.ge [sflag:s31], $0x1000  }
0x86: {  	[sflag:s31] =	ssyncset.done $0x0  }
0x87: {  	s11 =	simm.s32 $0x2680;
	[sflag:s31] =	ssyncadd.s32 $0xFFFFF000  }
0x88: {  	[spmem:s3] =	stream.indirect.scatter.add.f32 [tilespmem:s24], [sflag:$0x6], $0x20, s11, s22, $0xb8;
	[tilespmem:$0x10460] =	vst v63  }
0x89: {  	_ =	swait.ge [sflag:s0], $0x1000  }
0x8a: {  	[sflag:s0] =	ssyncset.done $0x0  }
0x8b: {  	s9 =	simm.s32 $0x2700;
	[sflag:s0] =	ssyncadd.s32 $0xFFFFF000  }
0x8c: {  	[spmem:s3] =	stream.indirect.scatter.add.f32 [tilespmem:s26], [sflag:$0x7], $0x20, s9, s22, $0xb8;
	[tilespmem:$0x10460] =	vst v63  }
0x8d: {  	_ =	swait.ge [sflag:s1], $0x1000  }
0x8e: {  	[sflag:s1] =	ssyncset.done $0x0  }
0x8f: {  	s11 =	simm.s32 $0x2780;
	[sflag:s1] =	ssyncadd.s32 $0xFFFFF000  }
0x90: {  	[spmem:s3] =	stream.indirect.scatter.add.f32 [tilespmem:s29], [sflag:$0x8], $0x20, s11, s22, $0xb8;
	[tilespmem:$0x10460] =	vst v63  }
0x91: {  	_ =	swait.ge [sflag:s15], $0x1000  }
0x92: {  	[sflag:s15] =	ssyncset.done $0x0  }
0x93: {  	[sflag:s15] =	ssyncadd.s32 $0xFFFFF000  }
0x94: {  	_ =	swait.ge [sflag:s25], $0x1000  }
0x95: {  	[sflag:s25] =	ssyncset.done $0x0  }
0x96: {  	[sflag:s25] =	ssyncadd.s32 $0xFFFFF000  }
0x97: {  	_ =	swait.ge [sflag:s28], $0x1000  }
0x98: {  	[sflag:s28] =	ssyncset.done $0x0  }
0x99: {  	[sflag:s28] =	ssyncadd.s32 $0xFFFFF000  }
0x9a: {  	_ =	swait.ge [sflag:s6], $0x1000  }
0x9b: {  	[sflag:s6] =	ssyncset.done $0x0  }
0x9c: {  	[sflag:s6] =	ssyncadd.s32 $0xFFFFF000  }
0x9d: {  	[bflag:$0x0] =	sbarrier.arrive $0xFFFF  }
0x9e: {  	s9 =	sshrl.u32 s10, $0x3;
	s11 =	rddreg [dreg:$0x9]  }
0x9f: {  	[hbm:s11], [sflag:s16] =	dma.local [spmem:s9], $0x9C0  }
0xa0: {  	s7 =	sadd.s32 $0x1, s7;
	_ =	swait.ge [sflag:s14], $0x9C0  }
0xa1: {  	p1 =	sne.s32 s7, s13;
	[sflag:s14] =	ssyncset.done $0x0  }
.Ltmp1:
0xa2: {  	s8 =	simm.s32 @!p0 $0x9;
	[sflag:s14] =	ssyncadd.s32 $0xFFFFF640;
	(pc) =	sbr.rel @p1 .LBB2_1-.Ltmp1, $4  }
0xa3: {  	[hbm:s12], [sflag:s16] =	dma.local @!p0 [spmem:s21], $0x40  }
0xa4: {  	_ =	swait.ge @!p0 [sflag:s8], $0x40  }
0xa5: {  	[sflag:s8] =	ssyncset.done @!p0 $0x0  }
0xa6: {  	[sflag:s8] =	ssyncadd.s32 @!p0 $0xFFFFFFC0  }
0xa7: {  	_ =	sfence.sel $0x180000  }
0xa8: {  	[bflag:$0x0] =	sbarrier.arrive $0xFFFF  }
0xa9: {  	_ =	strace $0x9000004A  }
0xaa: {  	s0 =	stileid.u32;
	[bflag:$0x2] =	sbarrier.arrive $0xFFFF  }
0xab: {  	p0 =	sne.s32 s0, $0x0;
	s0 =	rddreg [dreg:$0x4]  }
0xac: {  	s0 =	sadd.s32 @!p0 $0x100000, s0  }
0xad: {  	[sflag:s0] =	ssyncadd.tile.s32 @!p0 $0x1;
	_ =	shalt  }
.Lfunc_end2:
_tile_overlayer_lowered:
.L_overlay_start_2:
0xae: {  	(tag) =	ssettag $0x2  }
0xaf: {  	s0 =	rddreg [dreg:$0x0];
	s2 =	stileid.u32  }
0xb0: {  	s1 =	rddreg [dreg:$0x1];
	p0 =	sne.s32 s2, $0x0  }
0xb1: {  	s3 =	rddreg [dreg:$0x2];
	[bflag:$0x3] =	sbarrier.arrive $0xFFFF;
	s2 =	simm.s32 @!p0 $0x1C09  }
0xb2: {  	[timem:s3], [sflag:s2] =	dma.local @!p0 [hbm:s0], s1  }
0xb3: {  	s0 =	simm.s32 @!p0 $0x9  }
0xb4: {  	_ =	swait.ge @!p0 [sflag:s0], s1  }
0xb5: {  	s1 =	ssub.s32 @!p0 $0x0, s1;
	[sflag:s0] =	ssyncset.done @!p0 $0x0  }
0xb6: {  	[sflag:s0] =	ssyncadd.s32 @!p0 s1  }
0xb7: {  	[bflag:$0x3] =	sbarrier.arrive $0xFFFF  }
0xb8: {  	_ =	shalt  }

// kernel: kernel.8.cloned.1.call-start
scs
__scs_entry_jumppad:
0x0: {  	(pc) =	sbr.rel $0x88, $3  }
0x1: {  	(tag) =	ssettag $0x0;
	lr =	simm.s32 $0x1  }
0x2: {  	[smem:$0x3F9B] =	sst lr;
	_ =	strace $0xD0000000  }
0x3: {  	_ = 	snop  }
0x4: {  	_ = 	snop  }
0x5: {  	_ = 	snop  }
0x6: {  	_ = 	snop  }
0x7: {  	_ = 	snop  }
__scs_overlays_trampoline_lowered:
0x8: {  	[smem:$0x3FAA] =	sst s0  }
0x9: {  	[smem:$0x3FAB] =	sst s1  }
0xa: {  	[smem:$0x3FAC] =	sst s2  }
0xb: {  	[smem:$0x3FAD] =	sst s3  }
0xc: {  	[smem:$0x3FAE] =	sst s4  }
0xd: {  	[smem:$0x3FAF] =	sst s5  }
0xe: {  	[smem:$0x3FB0] =	sst s6  }
0xf: {  	[smem:$0x3FB1] =	sst s7  }
0x10: {  	[smem:$0x3FB2] =	sst s8  }
0x11: {  	[smem:$0x3FB3] =	sst s9;
	s0 =	simm.s32 @!p0 $0x0  }
0x12: {  	s1 =	sld [smem:$0x3F99];
	s0 =	simm.s32 @p0 $0x1  }
0x13: {  	[smem:$0x3FB4] =	sst s0;
	s0 =	simm.s32 @!p1 $0x0  }
0x14: {  	s2 =	sld [smem:$0x3F98];
	s0 =	simm.s32 @p1 $0x1  }
0x15: {  	[smem:$0x3FB5] =	sst s0;
	s0 =	simm.s32 @!p2 $0x0  }
0x16: {  	s3 =	sld [smem:$0x3FDB];
	s0 =	simm.s32 @p2 $0x1  }
0x17: {  	s4 =	simm.s32 $0x1BF5;
	[smem:$0x3FB7] =	sst s0  }
0x18: {  	s0 =	sld [smem:$0x3F9A];
	_ =	swait.ge [sflag:s4], $0x0  }
0x19: {  	s7 =	sld [smem:$0x3F9B]  }
0x1a: {  	s8 =	sadd.s32 $0xFFFFE003, lr  }
0x1b: {  	s9 =	sadd.s32 $0xFFFFFEF7, lr;
	s5 =	simm.s32 $0xFFFFFFFF;
	p2 =	slt.u32 s8, $0xFFFFF086  }
0x1c: {  	p1 =	slt.u32 s9, $0xF7A;
	s5 =	simm.s32 @!p2 $0x0  }
0x1d: {  	s5 =	simm.s32 @p1 $0x1;
	p0 =	seq.s32 s7, s2  }
0x1e: {  	s7 =	smul.u32 @!p0 $0xF7A, s2;
	p2 =	seq.s32 @!p0 s5, $0x0  }
0x1f: {  	s9 =	smul.u32 $0xF7A, s1;
	s8 =	simm.s32 @!p0 $0x1BF5;
	p2 =	por !p2, p0  }
0x20: {  	[sflag:s8] =	ssyncset.s32 @!p0 $0xFFFFF086;
	s6 =	sadd.s32 @!p0 s3, s7;
	s7 =	simm.s32 @!p0 $0x108  }
0x21: {  	s3 =	sadd.s32 s3, s9;
	s6 =	sadd.s32 @!p0 $0x88, s6;
	s7 =	simm.s32 @p2 $0x1082  }
0x22: {  	[simem:s7], [sflag:s8] =	dma.local @!p0 [hbm:s6], $0xF7A  }
0x23: {  	s9 =	sor.u32 $0xD0000000, s2;
	s6 =	simm.s32 $0x108;
	_ =	swait.ge @!p0 [sflag:s8], $0x0  }
0x24: {  	s3 =	sadd.s32 $0x88, s3;
	s6 =	simm.s32 @!p1 $0x1082;
	[sflag:s4] =	ssyncset.s32 $0xFFFFF086  }
0x25: {  	[simem:s6], [sflag:s4] =	dma.local [hbm:s3], $0xF7A  }
0x26: {  	[smem:$0x3F9B] =	sst s1;
	(tag) =	ssettag s2;
	_ =	strace s9  }
0x27: {  	s1 =	sld [smem:$0x3FAB]  }
0x28: {  	s2 =	sld [smem:$0x3FAC]  }
0x29: {  	s4 =	sld [smem:$0x3FAE]  }
0x2a: {  	p0 =	seq.s32 s5, $0x0;
	s5 =	sld [smem:$0x3FAF]  }
0x2b: {  	s6 =	sld [smem:$0x3FB0]  }
0x2c: {  	s7 =	sld [smem:$0x3FB1]  }
0x2d: {  	s3 =	simm.s32 $0x108;
	s8 =	sld [smem:$0x3FB2]  }
0x2e: {  	s3 =	simm.s32 @!p0 $0x1082;
	s9 =	sld [smem:$0x3FB3]  }
0x2f: {  	lr =	sadd.s32 s0, s3;
	s0 =	sld [smem:$0x3FAA]  }
0x30: {  	s3 =	sld [smem:$0x3FAD]  }
0x31: {  	[smem:$0x3FB6] =	sst s10  }
0x32: {  	s10 =	sld [smem:$0x3FB4];
	_ =	sdelay $0x3  }
0x33: {  	p0 =	seq.s32 s10, $0x1;
	s10 =	sld [smem:$0x3FB6];
	_ =	sdelay $0x3  }
0x34: {  	[smem:$0x3FB6] =	sst s10  }
0x35: {  	s10 =	sld [smem:$0x3FB5];
	_ =	sdelay $0x3  }
0x36: {  	p1 =	seq.s32 s10, $0x1;
	s10 =	sld [smem:$0x3FB6];
	_ =	sdelay $0x3  }
0x37: {  	[smem:$0x3FB6] =	sst s10  }
0x38: {  	s10 =	sld [smem:$0x3FB7]  }
0x39: {  	_ = 	snop;
	(pc) =	sbr.ind lr, $3  }
0x3a: {  	_ = 	snop  }
0x3b: {  	_ = 	snop  }
0x3c: {  	p2 =	seq.s32 s10, $0x1;
	s10 =	sld [smem:$0x3FB6]  }
0x3d: {  	_ =	shalt  }
0x3e: {  	_ =	shalt  }
0x3f: {  	_ =	shalt  }
0x40: {  	_ =	shalt  }
0x41: {  	_ =	shalt  }
0x42: {  	_ =	shalt  }
0x43: {  	_ =	shalt  }
0x44: {  	_ =	shalt  }
0x45: {  	_ =	shalt  }
0x46: {  	_ =	shalt  }
0x47: {  	_ =	shalt  }
0x48: {  	_ =	shalt  }
0x49: {  	_ =	shalt  }
0x4a: {  	_ =	shalt  }
0x4b: {  	_ =	shalt  }
0x4c: {  	_ =	shalt  }
0x4d: {  	_ =	shalt  }
0x4e: {  	_ =	shalt  }
0x4f: {  	_ =	shalt  }
0x50: {  	_ =	shalt  }
0x51: {  	_ =	shalt  }
0x52: {  	_ =	shalt  }
0x53: {  	_ =	shalt  }
0x54: {  	_ =	shalt  }
0x55: {  	_ =	shalt  }
0x56: {  	_ =	shalt  }
0x57: {  	_ =	shalt  }
0x58: {  	_ =	shalt  }
0x59: {  	_ =	shalt  }
0x5a: {  	_ =	shalt  }
0x5b: {  	_ =	shalt  }
0x5c: {  	_ =	shalt  }
0x5d: {  	_ =	shalt  }
0x5e: {  	_ =	shalt  }
0x5f: {  	_ =	shalt  }
0x60: {  	_ =	shalt  }
0x61: {  	_ =	shalt  }
0x62: {  	_ =	shalt  }
0x63: {  	_ =	shalt  }
0x64: {  	_ =	shalt  }
0x65: {  	_ =	shalt  }
0x66: {  	_ =	shalt  }
0x67: {  	_ =	shalt  }
0x68: {  	_ =	shalt  }
0x69: {  	_ =	shalt  }
0x6a: {  	_ =	shalt  }
0x6b: {  	_ =	shalt  }
0x6c: {  	_ =	shalt  }
0x6d: {  	_ =	shalt  }
0x6e: {  	_ =	shalt  }
0x6f: {  	_ =	shalt  }
0x70: {  	_ =	shalt  }
0x71: {  	_ =	shalt  }
0x72: {  	_ =	shalt  }
0x73: {  	_ =	shalt  }
0x74: {  	_ =	shalt  }
0x75: {  	_ =	shalt  }
0x76: {  	_ =	shalt  }
0x77: {  	_ =	shalt  }
0x78: {  	_ =	shalt  }
0x79: {  	_ =	shalt  }
0x7a: {  	_ =	shalt  }
0x7b: {  	_ =	shalt  }
0x7c: {  	_ =	shalt  }
0x7d: {  	_ =	shalt  }
0x7e: {  	_ =	shalt  }
0x7f: {  	_ =	shalt  }
0x80: {  	_ =	shalt  }
0x81: {  	_ =	shalt  }
0x82: {  	_ =	shalt  }
0x83: {  	_ =	shalt  }
0x84: {  	_ =	shalt  }
0x85: {  	_ =	shalt  }
0x86: {  	_ =	shalt  }
0x87: {  	_ =	shalt  }
.Lfunc_end0:
.L_simem_size_0:
called_computation_lowered:
.L_overlay_start_0:
0x88: {  	s2 =	sld [smem:$0x3FD9]  }
0x89: {  	s3 =	sld [smem:$0x3FFE];
	_ =	sdelay $0x1  }
0x8a: {  	s1 =	srdreg.scid  }
0x8b: {  	s0 =	sand.u32 $0x1, s1  }
0x8c: {  	s17 =	sshll.u32 s0, $0xA;
	s2 =	sadd.s32 s3, s2  }
0x8d: {  	s2 =	sadd.s32 s2, s17  }
0x8e: {  	[smem:$0x3FC2] =	sst s2  }
0x8f: {  	_ = 	snop  }
0x90: {  	s2 =	sld [smem:$0x3FD0];
	(tm) =	ssettm $0x1  }
0x91: {  	s18 =	sld [smem:$0x3FFB];
	_ =	sdelay $0x3  }
0x92: {  	_ =	strace s18  }
0x93: {  	s3 =	sld [smem:$0x3FFC];
	_ =	sdelay $0x3  }
0x94: {  	_ =	strace s3  }
0x95: {  	s3 =	sld [smem:$0x3FFD];
	_ =	sdelay $0x3  }
0x96: {  	_ =	strace s3  }
0x97: {  	_ =	strace $0x8FFFFFFF  }
0x98: {  	s19 =	sld [smem:$0x3FDB];
	_ =	sdelay $0x1  }
0x99: {  	s4 =	simm.s32 $_scs_section_size  }
0x9a: {  	s5 =	simm.s32 $_size__tile_overlayer_lowered;
	s6 =	simm.s32 $_tile_overlayer_lowered  }
0x9b: {  	s22 =	simm.s32 $0x1BFF;
	s21 =	sshll.u32 s6, $0x1;
	s3 =	sadd.s32 s4, s19  }
0x9c: {  	s7 =	simm.s32 $0x0;
	s20 =	sshll.u32 s5, $0x1;
	s5 =	sadd.s32 s21, s3  }
0x9d: {  	[timem:s7], [sflag:s22] =	dma.local [hbm:s5], s20  }
0x9e: {  	_ =	swait.ge [sflag:s22], s20  }
0x9f: {  	s4 =	ssub.s32 $0x0, s20;
	[sflag:s22] =	ssyncset.done $0x0  }
0xa0: {  	[sflag:s22] =	ssyncadd.s32 s4;
	_ =	sdelay $0x1  }
0xa1: {  	s23 =	simm.s32 $0x1B8B  }
0xa2: {  	_ =	swait.ge [sflag:s23], $0x1  }
0xa3: {  	[sflag:s23] =	ssyncset.done $0x0  }
0xa4: {  	s25 =	simm.s32 $0x1B8E;
	s24 =	sld [smem:$0x3FFE];
	[sflag:s23] =	ssyncadd.s32 $0xFFFFFFFF  }
0xa5: {  	s26 =	simm.s32 $execute0_lowered;
	[smem:$0x3FD2] =	sst s25  }
0xa6: {  	s5 =	sshll.u32 s26, $0x1;
	_ =	strace $0x80000046;
	[dreg:$0x1] =	wrdreg $0xFFFFFFFF  }
0xa7: {  	s28 =	simm.s32 $_size_execute0_lowered;
	s3 =	sadd.s32 s3, s5;
	[dreg:$0x0] =	wrdreg $0x0  }
0xa8: {  	s5 =	sshll.u32 s28, $0x1;
	[dreg:$0x2] =	wrdreg s3  }
0xa9: {  	[dreg:$0x3] =	wrdreg s5  }
0xaa: {  	[dreg:$0x4] =	wrdreg $0xC0  }
0xab: {  	_ =	task [dreg:s7], $0x5FFFF  }
0xac: {  	[dreg:$0x1] =	wrdreg $0xFFFFFFFF  }
0xad: {  	[dreg:$0x0] =	wrdreg $0x60  }
0xae: {  	[dreg:$0x2] =	wrdreg s24  }
0xaf: {  	[dreg:$0x3] =	wrdreg s2  }
0xb0: {  	[dreg:$0x4] =	wrdreg $0x144800  }
0xb1: {  	[dreg:$0x5] =	wrdreg $0xA8000  }
0xb2: {  	[dreg:$0x6] =	wrdreg $0x9  }
0xb3: {  	_ =	task.clear_ibuf [dreg:s7], $0x7FFFF;
	_ =	strace $0x90000046  }
0xb4: {  	s29 =	simm.s32 $0x9;
	_ =	strace $0x80000048  }
0xb5: {  	_ =	swait.ge [sflag:s29], $0x1  }
0xb6: {  	[sflag:s29] =	ssyncadd.s32 $0xFFFFFFFF  }
0xb7: {  	_ =	strace $0x90000048  }
0xb8: {  	_ =	sfence  }
0xb9: {  	s30 =	sld [smem:$0x0];
	_ =	sdelay $0x2  }
0xba: {  	s31 =	sshll.u32 s1, $0xD;
	s1 =	sshrl.u32 s1, $0x2  }
0xbb: {  	s3 =	sand.u32 $0x4000, s31;
	s1 =	sadd.s32 s1, s30  }
0xbc: {  	s0 =	sor.u32 s3, s0;
	s1 =	sshll.u32 s1, $0x11  }
0xbd: {  	s0 =	sor.u32 s1, s0  }
0xbe: {  	s0 =	sadd.s32 $0x8F2B, s0  }
0xbf: {  	[sflag:s0] =	ssyncadd.remote.s32 $0x1  }
0xc0: {  	_ =	sfence.sel $0xFFFF  }
0xc1: {  	[dreg:$0x0] =	wrdreg $0xFFFFFFFF;
	(pc) =	sbr.abs _section_cstart, $3  }
0xc2: {  	[dreg:$0x1] =	wrdreg $0xFFFFFFFF  }
0xc3: {  	_ =	task.clear_ibuf [dreg:s7], $0x2FFFF;
	_ =	strace $0x9FFFFFFF  }
0xc4: {  	(tm) =	ssettm $0x7FFFFFFF  }
0xc5: {  	_ =	shalt  }
tec
execute0_lowered:
.L_overlay_start_1:
0x0: {  	(tag) =	ssettag $0x1  }
0x1: {  	s0 =	rddreg [dreg:$0x0]  }
0x2: {  	s1 =	rddreg [dreg:$0x1]  }
0x3: {  	s2 =	rddreg [dreg:$0x2]  }
0x4: {  	s3 =	rddreg [dreg:$0x3]  }
0x5: {  	s16 =	stileid.u32;
	s4 =	srdreg.scid  }
0x6: {  	s14 =	simm.s32 $0x9;
	s22 =	simm.s32 $0x80;
	s23 =	simm.s32 $0x2800  }
0x7: {  	s29 =	simm.s32 $0x8800;
	s30 =	simm.s32 $0x1;
	s31 =	simm.s32 $0x2  }
0x8: {  	s28 =	simm.s32 $0x7;
	s6 =	sand.u32 $0x1, s4;
	s5 =	sshll.u32 s16, $0x1  }
0x9: {  	s4 =	simm.s32 $0x0;
	s7 =	smul.u32 $0x9C00, s16;
	p0 =	sne.s32 s16, $0xF  }
0xa: {  	s26 =	sshll.u32 s16, $0x6;
	s5 =	sor.u32 s6, s5;
	[smem:$0x7FF] =	sst s4  }
0xb: {  	s9 =	ssub.s32 $0x2, s6;
	s6 =	smul.u32 $0x9C400, s6;
	s16 =	sor.u32 $0x1C09, s26  }
0xc: {  	s26 =	simm.s32 $0x6800;
	s5 =	smul.u32 $0x1400, s5;
	_ =	strace $0x80000047  }
0xd: {  	s8 =	sshrl.u32 s7, $0x3;
	s11 =	sshrl.u32 s9, $0x1;
	s15 =	sadd.s32 s7, s2  }
0xe: {  	s8 =	sadd.s32 s8, s0;
	s9 =	ssub.s32 s9, s11;
	s25 =	sadd.s32 s7, s6  }
0xf: {  	s6 =	sshrl.u32 s6, $0x3;
	s17 =	sshrl.u32 s15, $0x3;
	s15 =	simm.s32 $0x5  }
0x10: {  	s5 =	sshrl.u32 s5, $0x3;
	s8 =	sadd.s32 $0xB000, s8;
	s6 =	sadd.s32 s1, s6  }
0x11: {  	s13 =	smax.u32 s9, $0x1;
	s10 =	sadd.s32 s5, s0;
	s5 =	sadd.s32 $0x1EA00, s0  }
0x12: {  	[dreg:$0x7] =	wrdreg s8;
	s8 =	sadd.s32 $0x9C000, s2;
	s0 =	sadd.s32 $0x1E800, s0  }
0x13: {  	s12 =	sadd.s32 $0x13800, s6;
	s6 =	simm.s32 $0x8;
	s24 =	sadd.s32 $0x1000, s10  }
0x14: {  	s10 =	sadd.s32 $0x6000, s10;
	[dreg:$0x8] =	wrdreg s0;
	s0 =	sshrl.u32 s25, $0x3  }
0x15: {  	s19 =	sshrl.u32 @!p0 s8, $0x3;
	s25 =	simm.s32 $0x6;
	[dreg:$0x5] =	wrdreg s24  }
0x16: {  	[dreg:$0x6] =	wrdreg s10;
	s10 =	sadd.s32 s7, s3;
	s7 =	sadd.s32 $0x9C000, s3  }
0x17: {  	s0 =	sadd.s32 s1, s0;
	s24 =	simm.s32 $0x4800;
	s1 =	simm.s32 $0x4  }
0x18: {  	[dreg:$0x9] =	wrdreg s0;
	s18 =	sshrl.u32 @p0 s10, $0x3;
	s20 =	sshrl.u32 @!p0 s10, $0x3  }
0x19: {  	s21 =	sshrl.u32 @!p0 s7, $0x3;
	s0 =	simm.s32 $0x3;
	s7 =	simm.s32 $0x0  }
.LBB2_1:
0x1a: {  	s8 =	rddreg [dreg:$0x5]  }
0x1b: {  	[tilespmem:s4], [sflag:$0x9] =	stream.linear.gather [hbm4b:s8+s4], $0x1400, $0x38;
	[tilespmem:$0x1E0C0] =	vst v63  }
0x1c: {  	_ =	swait.ge [sflag:s14], $0x1400  }
0x1d: {  	[sflag:s14] =	ssyncset.done $0x0  }
0x1e: {  	s9 =	simm.s32 $0x1400;
	s11 =	rddreg [dreg:$0x6];
	[sflag:s14] =	ssyncadd.s32 $0xFFFFEC00  }
0x1f: {  	[tilespmem:s9], [sflag:$0x9] =	stream.linear.gather [hbm4b:s11+s4], $0x1400, $0x38;
	[tilespmem:$0x1E0C0] =	vst v63  }
0x20: {  	_ =	swait.ge [sflag:s14], $0x1400  }
0x21: {  	[sflag:s14] =	ssyncset.done $0x0  }
0x22: {  	s9 =	rddreg [dreg:$0x7];
	[sflag:s14] =	ssyncadd.s32 $0xFFFFEC00  }
0x23: {  	[spmem:s17], [sflag:s16] =	dma.local [hbm:s9], $0x1380  }
0x24: {  	_ =	swait.ge [sflag:s14], $0x1380  }
0x25: {  	[sflag:s14] =	ssyncset.done $0x0  }
0x26: {  	s8 =	simm.s32 @p0 $0x9;
	[sflag:s14] =	ssyncadd.s32 $0xFFFFEC80  }
0x27: {  	[spmem:s18], [sflag:s16] =	dma.local @p0 [hbm:s5], $0x1380  }
0x28: {  	_ =	swait.ge @p0 [sflag:s8], $0x1380  }
0x29: {  	[sflag:s8] =	ssyncset.done @p0 $0x0  }
0x2a: {  	[sflag:s8] =	ssyncadd.s32 @p0 $0xFFFFEC80;
	s8 =	rddreg [dreg:$0x8]  }
0x2b: {  	[spmem:s19], [sflag:s16] =	dma.local @!p0 [hbm:s8], $0x80  }
0x2c: {  	s8 =	simm.s32 @!p0 $0x9  }
0x2d: {  	_ =	swait.ge @!p0 [sflag:s8], $0x80  }
0x2e: {  	[sflag:s8] =	ssyncset.done @!p0 $0x0  }
0x2f: {  	[sflag:s8] =	ssyncadd.s32 @!p0 $0xFFFFFF80  }
0x30: {  	[spmem:s20], [sflag:s16] =	dma.local @!p0 [hbm:s5], $0x1380  }
0x31: {  	_ =	swait.ge @!p0 [sflag:s8], $0x1380  }
0x32: {  	[sflag:s8] =	ssyncset.done @!p0 $0x0  }
0x33: {  	[sflag:s8] =	ssyncadd.s32 @!p0 $0xFFFFEC80  }
0x34: {  	[spmem:s21], [sflag:s16] =	dma.local @!p0 [hbm:s5], $0x100  }
0x35: {  	_ =	swait.ge @!p0 [sflag:s8], $0x100  }
0x36: {  	[sflag:s8] =	ssyncset.done @!p0 $0x0  }
0x37: {  	[sflag:s8] =	ssyncadd.s32 @!p0 $0xFFFFFF00  }
0x38: {  	[bflag:$0x0] =	sbarrier.arrive $0xFFFF  }
0x39: {  	[tilespmem:s23], [sflag:$0x1] =	stream.indirect.gather [spmem:s2], $0x40, s4, s22, $0xb8;
	[tilespmem:$0x1E0C0] =	vst v63  }
0x3a: {  	_ = 	snop  }
0x3b: {  	[tilespmem:s24], [sflag:$0x2] =	stream.indirect.gather [spmem:s2], $0x40, s22, s22, $0xb8;
	[tilespmem:$0x1E0C0] =	vst v63  }
0x3c: {  	s11 =	simm.s32 $0x100  }
0x3d: {  	[tilespmem:s26], [sflag:$0x3] =	stream.indirect.gather [spmem:s2], $0x40, s11, s22, $0xb8;
	[tilespmem:$0x1E0C0] =	vst v63  }
0x3e: {  	s9 =	simm.s32 $0x180  }
0x3f: {  	[tilespmem:s29], [sflag:$0x4] =	stream.indirect.gather [spmem:s2], $0x40, s9, s22, $0xb8;
	[tilespmem:$0x1E0C0] =	vst v63  }
0x40: {  	_ =	swait.ge [sflag:s30], $0x2000  }
0x41: {  	[sflag:s30] =	ssyncset.done $0x0  }
0x42: {  	s11 =	simm.s32 $0x1400;
	[sflag:s30] =	ssyncadd.s32 $0xFFFFE000  }
0x43: {  	[spmem:s3] =	stream.indirect.scatter.add.f32 [tilespmem:s23], [sflag:$0x5], $0x40, s11, s22, $0xb8;
	[tilespmem:$0x1E0C0] =	vst v63  }
0x44: {  	_ =	swait.ge [sflag:s31], $0x2000  }
0x45: {  	[sflag:s31] =	ssyncset.done $0x0  }
0x46: {  	s9 =	simm.s32 $0x1480;
	[sflag:s31] =	ssyncadd.s32 $0xFFFFE000  }
0x47: {  	[spmem:s3] =	stream.indirect.scatter.add.f32 [tilespmem:s24], [sflag:$0x6], $0x40, s9, s22, $0xb8;
	[tilespmem:$0x1E0C0] =	vst v63  }
0x48: {  	_ =	swait.ge [sflag:s0], $0x2000  }
0x49: {  	[sflag:s0] =	ssyncset.done $0x0  }
0x4a: {  	s11 =	simm.s32 $0x1500;
	[sflag:s0] =	ssyncadd.s32 $0xFFFFE000  }
0x4b: {  	[spmem:s3] =	stream.indirect.scatter.add.f32 [tilespmem:s26], [sflag:$0x7], $0x40, s11, s22, $0xb8;
	[tilespmem:$0x1E0C0] =	vst v63  }
0x4c: {  	_ =	swait.ge [sflag:s1], $0x2000  }
0x4d: {  	[sflag:s1] =	ssyncset.done $0x0  }
0x4e: {  	s9 =	simm.s32 $0x1580;
	[sflag:s1] =	ssyncadd.s32 $0xFFFFE000  }
0x4f: {  	[spmem:s3] =	stream.indirect.scatter.add.f32 [tilespmem:s29], [sflag:$0x8], $0x40, s9, s22, $0xb8;
	[tilespmem:$0x1E0C0] =	vst v63  }
0x50: {  	_ =	swait.ge [sflag:s15], $0x2000  }
0x51: {  	[sflag:s15] =	ssyncset.done $0x0  }
0x52: {  	s11 =	simm.s32 $0x200;
	[sflag:s15] =	ssyncadd.s32 $0xFFFFE000  }
0x53: {  	[tilespmem:s23], [sflag:$0x1] =	stream.indirect.gather [spmem:s2], $0x40, s11, s22, $0xb8;
	[tilespmem:$0x1E0C0] =	vst v63  }
0x54: {  	_ =	swait.ge [sflag:s25], $0x2000  }
0x55: {  	[sflag:s25] =	ssyncset.done $0x0  }
0x56: {  	s9 =	simm.s32 $0x280;
	[sflag:s25] =	ssyncadd.s32 $0xFFFFE000  }
0x57: {  	[tilespmem:s24], [sflag:$0x2] =	stream.indirect.gather [spmem:s2], $0x40, s9, s22, $0xb8;
	[tilespmem:$0x1E0C0] =	vst v63  }
0x58: {  	_ =	swait.ge [sflag:s28], $0x2000  }
0x59: {  	[sflag:s28] =	ssyncset.done $0x0  }
0x5a: {  	s11 =	simm.s32 $0x300;
	[sflag:s28] =	ssyncadd.s32 $0xFFFFE000  }
0x5b: {  	[tilespmem:s26], [sflag:$0x3] =	stream.indirect.gather [spmem:s2], $0x40, s11, s22, $0xb8;
	[tilespmem:$0x1E0C0] =	vst v63  }
0x5c: {  	_ =	swait.ge [sflag:s6], $0x2000  }
0x5d: {  	[sflag:s6] =	ssyncset.done $0x0  }
0x5e: {  	s8 =	simm.s32 $0x800;
	s9 =	simm.s32 $0x380;
	[sflag:s6] =	ssyncadd.s32 $0xFFFFE000  }
.LBB2_2:
0x5f: {  	[tilespmem:s29], [sflag:$0x4] =	stream.indirect.gather [spmem:s2], $0x40, s9, s22, $0xb8;
	[tilespmem:$0x1E0C0] =	vst v63  }
0x60: {  	s9 =	smov.u32 s8  }
0x61: {  	p1 =	sne.s32 s8, $0x4000;
	s8 =	sadd.s32 $0x800, s8;
	_ =	swait.ge [sflag:s30], $0x2000  }
0x62: {  	s9 =	sshra.s32 s9, $0x2;
	[sflag:s30] =	ssyncset.done $0x0  }
0x63: {  	s11 =	sadd.s32 $0x1400, s9;
	[sflag:s30] =	ssyncadd.s32 $0xFFFFE000  }
0x64: {  	[spmem:s3] =	stream.indirect.scatter.add.f32 [tilespmem:s23], [sflag:$0x5], $0x40, s11, s22, $0xb8;
	[tilespmem:$0x1E0C0] =	vst v63  }
0x65: {  	_ =	swait.ge [sflag:s31], $0x2000  }
0x66: {  	[sflag:s31] =	ssyncset.done $0x0  }
0x67: {  	s11 =	sadd.s32 $0x1480, s9;
	[sflag:s31] =	ssyncadd.s32 $0xFFFFE000  }
0x68: {  	[spmem:s3] =	stream.indirect.scatter.add.f32 [tilespmem:s24], [sflag:$0x6], $0x40, s11, s22, $0xb8;
	[tilespmem:$0x1E0C0] =	vst v63  }
0x69: {  	_ =	swait.ge [sflag:s0], $0x2000  }
0x6a: {  	[sflag:s0] =	ssyncset.done $0x0  }
0x6b: {  	s11 =	sadd.s32 $0x1500, s9;
	[sflag:s0] =	ssyncadd.s32 $0xFFFFE000  }
0x6c: {  	[spmem:s3] =	stream.indirect.scatter.add.f32 [tilespmem:s26], [sflag:$0x7], $0x40, s11, s22, $0xb8;
	[tilespmem:$0x1E0C0] =	vst v63  }
0x6d: {  	_ =	swait.ge [sflag:s1], $0x2000  }
0x6e: {  	[sflag:s1] =	ssyncset.done $0x0  }
0x6f: {  	s11 =	sadd.s32 $0x1580, s9;
	[sflag:s1] =	ssyncadd.s32 $0xFFFFE000  }
0x70: {  	[spmem:s3] =	stream.indirect.scatter.add.f32 [tilespmem:s29], [sflag:$0x8], $0x40, s11, s22, $0xb8;
	[tilespmem:$0x1E0C0] =	vst v63  }
0x71: {  	_ =	swait.ge [sflag:s15], $0x2000  }
0x72: {  	[sflag:s15] =	ssyncset.done $0x0  }
0x73: {  	s11 =	sadd.s32 $0x200, s9;
	[sflag:s15] =	ssyncadd.s32 $0xFFFFE000  }
0x74: {  	[tilespmem:s23], [sflag:$0x1] =	stream.indirect.gather [spmem:s2], $0x40, s11, s22, $0xb8;
	[tilespmem:$0x1E0C0] =	vst v63  }
0x75: {  	_ =	swait.ge [sflag:s25], $0x2000  }
0x76: {  	[sflag:s25] =	ssyncset.done $0x0  }
0x77: {  	s11 =	sadd.s32 $0x280, s9;
	[sflag:s25] =	ssyncadd.s32 $0xFFFFE000  }
0x78: {  	[tilespmem:s24], [sflag:$0x2] =	stream.indirect.gather [spmem:s2], $0x40, s11, s22, $0xb8;
	[tilespmem:$0x1E0C0] =	vst v63  }
0x79: {  	_ =	swait.ge [sflag:s28], $0x2000  }
0x7a: {  	[sflag:s28] =	ssyncset.done $0x0  }
.Ltmp0:
0x7b: {  	s11 =	sadd.s32 $0x300, s9;
	[sflag:s28] =	ssyncadd.s32 $0xFFFFE000;
	(pc) =	sbr.rel @p1 .LBB2_2-.Ltmp0, $4  }
0x7c: {  	[tilespmem:s26], [sflag:$0x3] =	stream.indirect.gather [spmem:s2], $0x40, s11, s22, $0xb8;
	[tilespmem:$0x1E0C0] =	vst v63  }
0x7d: {  	_ =	swait.ge [sflag:s6], $0x2000  }
0x7e: {  	[sflag:s6] =	ssyncset.done $0x0  }
0x7f: {  	s9 =	sadd.s32 $0x380, s9;
	[sflag:s6] =	ssyncadd.s32 $0xFFFFE000  }
0x80: {  	[tilespmem:s29], [sflag:$0x4] =	stream.indirect.gather [spmem:s2], $0x40, s9, s22, $0xb8;
	[tilespmem:$0x1E0C0] =	vst v63  }
0x81: {  	_ =	swait.ge [sflag:s30], $0x2000  }
0x82: {  	[sflag:s30] =	ssyncset.done $0x0  }
0x83: {  	s8 =	simm.s32 $0x2600;
	[sflag:s30] =	ssyncadd.s32 $0xFFFFE000  }
0x84: {  	[spmem:s3] =	stream.indirect.scatter.add.f32 [tilespmem:s23], [sflag:$0x5], $0x40, s8, s22, $0xb8;
	[tilespmem:$0x1E0C0] =	vst v63  }
0x85: {  	_ =	swait.ge [sflag:s31], $0x2000  }
0x86: {  	[sflag:s31] =	ssyncset.done $0x0  }
0x87: {  	s11 =	simm.s32 $0x2680;
	[sflag:s31] =	ssyncadd.s32 $0xFFFFE000  }
0x88: {  	[spmem:s3] =	stream.indirect.scatter.add.f32 [tilespmem:s24], [sflag:$0x6], $0x40, s11, s22, $0xb8;
	[tilespmem:$0x1E0C0] =	vst v63  }
0x89: {  	_ =	swait.ge [sflag:s0], $0x2000  }
0x8a: {  	[sflag:s0] =	ssyncset.done $0x0  }
0x8b: {  	s9 =	simm.s32 $0x2700;
	[sflag:s0] =	ssyncadd.s32 $0xFFFFE000  }
0x8c: {  	[spmem:s3] =	stream.indirect.scatter.add.f32 [tilespmem:s26], [sflag:$0x7], $0x40, s9, s22, $0xb8;
	[tilespmem:$0x1E0C0] =	vst v63  }
0x8d: {  	_ =	swait.ge [sflag:s1], $0x2000  }
0x8e: {  	[sflag:s1] =	ssyncset.done $0x0  }
0x8f: {  	s11 =	simm.s32 $0x2780;
	[sflag:s1] =	ssyncadd.s32 $0xFFFFE000  }
0x90: {  	[spmem:s3] =	stream.indirect.scatter.add.f32 [tilespmem:s29], [sflag:$0x8], $0x40, s11, s22, $0xb8;
	[tilespmem:$0x1E0C0] =	vst v63  }
0x91: {  	_ =	swait.ge [sflag:s15], $0x2000  }
0x92: {  	[sflag:s15] =	ssyncset.done $0x0  }
0x93: {  	[sflag:s15] =	ssyncadd.s32 $0xFFFFE000  }
0x94: {  	_ =	swait.ge [sflag:s25], $0x2000  }
0x95: {  	[sflag:s25] =	ssyncset.done $0x0  }
0x96: {  	[sflag:s25] =	ssyncadd.s32 $0xFFFFE000  }
0x97: {  	_ =	swait.ge [sflag:s28], $0x2000  }
0x98: {  	[sflag:s28] =	ssyncset.done $0x0  }
0x99: {  	[sflag:s28] =	ssyncadd.s32 $0xFFFFE000  }
0x9a: {  	_ =	swait.ge [sflag:s6], $0x2000  }
0x9b: {  	[sflag:s6] =	ssyncset.done $0x0  }
0x9c: {  	[sflag:s6] =	ssyncadd.s32 $0xFFFFE000  }
0x9d: {  	[bflag:$0x0] =	sbarrier.arrive $0xFFFF  }
0x9e: {  	s9 =	sshrl.u32 s10, $0x3;
	s11 =	rddreg [dreg:$0x9]  }
0x9f: {  	[hbm:s11], [sflag:s16] =	dma.local [spmem:s9], $0x1380  }
0xa0: {  	s7 =	sadd.s32 $0x1, s7;
	_ =	swait.ge [sflag:s14], $0x1380  }
0xa1: {  	p1 =	sne.s32 s7, s13;
	[sflag:s14] =	ssyncset.done $0x0  }
.Ltmp1:
0xa2: {  	s8 =	simm.s32 @!p0 $0x9;
	[sflag:s14] =	ssyncadd.s32 $0xFFFFEC80;
	(pc) =	sbr.rel @p1 .LBB2_1-.Ltmp1, $4  }
0xa3: {  	[hbm:s12], [sflag:s16] =	dma.local @!p0 [spmem:s21], $0x80  }
0xa4: {  	_ =	swait.ge @!p0 [sflag:s8], $0x80  }
0xa5: {  	[sflag:s8] =	ssyncset.done @!p0 $0x0  }
0xa6: {  	[sflag:s8] =	ssyncadd.s32 @!p0 $0xFFFFFF80  }
0xa7: {  	_ =	sfence.sel $0x180000  }
0xa8: {  	[bflag:$0x0] =	sbarrier.arrive $0xFFFF  }
0xa9: {  	_ =	strace $0x90000047  }
0xaa: {  	s0 =	stileid.u32;
	[bflag:$0x2] =	sbarrier.arrive $0xFFFF  }
0xab: {  	p0 =	sne.s32 s0, $0x0;
	s0 =	rddreg [dreg:$0x4]  }
0xac: {  	s0 =	sadd.s32 @!p0 $0x100000, s0  }
0xad: {  	[sflag:s0] =	ssyncadd.tile.s32 @!p0 $0x1;
	_ =	shalt  }
.Lfunc_end2:
_tile_overlayer_lowered:
.L_overlay_start_2:
0xae: {  	(tag) =	ssettag $0x2  }
0xaf: {  	s0 =	rddreg [dreg:$0x0];
	s2 =	stileid.u32  }
0xb0: {  	s1 =	rddreg [dreg:$0x1];
	p0 =	sne.s32 s2, $0x0  }
0xb1: {  	s3 =	rddreg [dreg:$0x2];
	[bflag:$0x3] =	sbarrier.arrive $0xFFFF;
	s2 =	simm.s32 @!p0 $0x1C09  }
0xb2: {  	[timem:s3], [sflag:s2] =	dma.local @!p0 [hbm:s0], s1  }
0xb3: {  	s0 =	simm.s32 @!p0 $0x9  }
0xb4: {  	_ =	swait.ge @!p0 [sflag:s0], s1  }
0xb5: {  	s1 =	ssub.s32 @!p0 $0x0, s1;
	[sflag:s0] =	ssyncset.done @!p0 $0x0  }
0xb6: {  	[sflag:s0] =	ssyncadd.s32 @!p0 s1  }
0xb7: {  	[bflag:$0x3] =	sbarrier.arrive $0xFFFF  }
0xb8: {  	_ =	shalt  }

</sc_bundles>
